<compile_context>
chip_gen: v7x
topology: tpu7x:2x2x1
jax: 0.10.2.dev20260603
libtpu: 0.0.44.dev20260713+nightly
codegen_flags: <defaults>
</compile_context>

<pallas_src>
import functools

import jax
import jax.numpy as jnp
from jax import lax
from jax.experimental import pallas as pl
from jax.experimental.pallas import tpu as pltpu
from jax.experimental.pallas import tpu_sc as plsc

_VOCP = 1008
_TBLP = 1008
_DCP = 112
_EMB = 64
_NW = 32
_IDXN = 1088


def _gather16(x, idx):
    return x.at[idx].get(mode="promise_in_bounds")


def _lane_sum(x, iota16):
    for sh in (1, 2, 4, 8):
        x = x + _gather16(x, (iota16 + sh) % 16)
    return x


def _prefix_sum_inc(x, iota16, zero_like):
    for sh in (1, 2, 4, 8):
        shifted = _gather16(x, jnp.maximum(iota16 - sh, 0))
        x = x + jnp.where(iota16 >= sh, shifted, zero_like)
    return x


def _sc_body(rpt, cat_hbm, cont_hbm, wcont_hbm, wcat_hbm, out_hbm,
             cat_v, cont_v, wcont_v, wcat_v, idx_v, res_v):
    cid = lax.axis_index("c")
    sid = lax.axis_index("s")
    wid = sid * 2 + cid
    base = wid * rpt
    pltpu.sync_copy(cat_hbm.at[pl.ds(base * _VOCP, rpt * _VOCP)], cat_v)
    pltpu.sync_copy(cont_hbm.at[pl.ds(base * _DCP, rpt * _DCP)], cont_v)
    pltpu.sync_copy(wcont_hbm, wcont_v)
    pltpu.sync_copy(wcat_hbm, wcat_v)
    iota16 = lax.iota(jnp.int32, 16)
    zero = jnp.zeros((16,), jnp.float32)
    izero = jnp.zeros((16,), jnp.int32)
    dummy = jnp.full((16,), _TBLP - 1, jnp.int32)

    def row_body(r, res_chunks):
        def cbody(j, ptr):
            cc = cat_v[pl.ds(r * _VOCP + j * 16, 16)]
            m = cc != 0
            mi = jnp.where(m, 1, izero)
            pos = ptr + _prefix_sum_inc(mi, iota16, izero) - 1
            pos = jnp.where(m, pos, jnp.full((16,), _IDXN - 16, jnp.int32))
            plsc.store_scatter(idx_v, [pos], iota16 + j * 16)
            cnt = plsc.all_reduce_population_count(m)
            return ptr + cnt
        nnzs = lax.fori_loop(0, _VOCP // 16, cbody, izero)
        nnz = nnzs[0]

        idx_v[pl.ds(nnz, 16)] = dummy

        def kbody(k, accs2):
            vidx = idx_v[pl.ds(k * 16, 16)]
            voff = vidx * _EMB
            acc = list(accs2)
            for l in range(16):
                b = voff[l]
                p = (l % 2) * 4
                acc[p + 0] = acc[p + 0] + wcat_v[pl.ds(b, 16)]
                acc[p + 1] = acc[p + 1] + wcat_v[pl.ds(b + 16, 16)]
                acc[p + 2] = acc[p + 2] + wcat_v[pl.ds(b + 32, 16)]
                acc[p + 3] = acc[p + 3] + wcat_v[pl.ds(b + 48, 16)]
            return tuple(acc)
        nk = (nnz + 15) // 16
        accs8 = lax.fori_loop(0, nk, kbody, (zero,) * 8)

        def dchunk(j, accs3):
            xv = cont_v[pl.ds(r * _DCP + j * 16, 16)]
            acc = list(accs3)
            for l in range(16):
                xs = _gather16(xv, jnp.full((16,), l, jnp.int32))
                d = j * 16 + l
                p = (l % 2) * 4
                acc[p + 0] = acc[p + 0] + xs * wcont_v[pl.ds(d * _EMB, 16)]
                acc[p + 1] = acc[p + 1] + xs * wcont_v[pl.ds(d * _EMB + 16, 16)]
                acc[p + 2] = acc[p + 2] + xs * wcont_v[pl.ds(d * _EMB + 32, 16)]
                acc[p + 3] = acc[p + 3] + xs * wcont_v[pl.ds(d * _EMB + 48, 16)]
            return tuple(acc)
        accs8 = lax.fori_loop(0, _DCP // 16, dchunk, accs8)

        a0 = accs8[0] + accs8[4]
        a1 = accs8[1] + accs8[5]
        a2 = accs8[2] + accs8[6]
        a3 = accs8[3] + accs8[7]

        sq = a0 * a0 + a1 * a1 + a2 * a2 + a3 * a3
        res = 0.5 * _lane_sum(sq, iota16)
        return tuple(
            jnp.where(iota16 + 16 * k == r, res, res_chunks[k])
            for k in range(len(res_chunks)))

    opt = rpt if rpt % 8 == 0 else 8
    nres = max(1, rpt // 16)
    res_chunks = lax.fori_loop(0, rpt, row_body, (zero,) * nres)
    for k in range(nres):
        res_v[pl.ds(16 * k, 16)] = res_chunks[k]
    pltpu.sync_copy(res_v.at[pl.ds(0, opt)], out_hbm.at[pl.ds(wid * opt, opt)])


def _sc_call(cat_pad_flat, cont_pad_flat, wcont_flat, wcat_flat, n_rows):
    rpt = n_rows // _NW
    opt = rpt if rpt % 8 == 0 else 8
    mesh = plsc.VectorSubcoreMesh(core_axis_name="c", subcore_axis_name="s")
    return pl.kernel(
        functools.partial(_sc_body, rpt),
        out_type=jax.ShapeDtypeStruct((_NW * opt,), jnp.float32),
        mesh=mesh,
        compiler_params=pltpu.CompilerParams(needs_layout_passes=False,
                                             use_tc_tiling_on_sc=False),
        scratch_types=[
            pltpu.VMEM((rpt * _VOCP,), jnp.int32),
            pltpu.VMEM((rpt * _DCP,), jnp.float32),
            pltpu.VMEM((_DCP * _EMB,), jnp.float32),
            pltpu.VMEM((_TBLP * _EMB,), jnp.float32),
            pltpu.VMEM((_IDXN,), jnp.int32),
            pltpu.VMEM((max(16, rpt),), jnp.float32),
        ],
    )(cat_pad_flat, cont_pad_flat, wcont_flat, wcat_flat)


_K_SC = 32


def _fm_tc_block(cont_ref, cat_ref, wc_ref, wcat_ref, out_ref):
    blk = out_ref.shape[-1]
    mask = (cat_ref[...] != 0).astype(jnp.float32)
    s = jnp.dot(cont_ref[...], wc_ref[...], preferred_element_type=jnp.float32)
    s = s + jnp.dot(mask, wcat_ref[...], preferred_element_type=jnp.float32)
    out_ref[...] = (0.5 * jnp.sum(s * s, axis=1)).reshape(1, 1, blk)


def _tc_call(continuous, cat8, W_cont, W_cat):
    n, d_cont = continuous.shape
    vocab, emb = W_cat.shape
    out = pl.pallas_call(
        _fm_tc_block,
        grid=(1,),
        in_specs=[
            pl.BlockSpec((n, d_cont), lambda i: (i, 0)),
            pl.BlockSpec((n, vocab), lambda i: (i, 0)),
            pl.BlockSpec((d_cont, emb), lambda i: (0, 0)),
            pl.BlockSpec((vocab, emb), lambda i: (0, 0)),
        ],
        out_specs=pl.BlockSpec((1, 1, n), lambda i: (i, 0, 0)),
        out_shape=jax.ShapeDtypeStruct((1, 1, n), jnp.float32),
    )(continuous, cat8, W_cont, W_cat)
    return out.reshape(n, 1)


def kernel(continuous, category, W_cont, W_cat):
    n, d_cont = continuous.shape
    vocab, emb = W_cat.shape
    k = _K_SC
    cat_pad = jnp.pad(category[:k], ((0, 0), (0, _VOCP - vocab))).reshape(-1)
    cont_pad = jnp.pad(continuous[:k],
                       ((0, 0), (0, _DCP - d_cont))).reshape(-1)
    wcont_pad = jnp.pad(W_cont, ((0, _DCP - d_cont), (0, 0))).reshape(-1)
    wcat_pad = jnp.pad(W_cat, ((0, _TBLP - vocab), (0, 0))).reshape(-1)
    rpt = k // _NW
    opt = rpt if rpt % 8 == 0 else 8
    out_sc = _sc_call(cat_pad, cont_pad, wcont_pad, wcat_pad, k)
    out_sc = out_sc.reshape(_NW, opt)[:, :rpt]
    cat8 = category[k:].astype(jnp.int8)
    out_tc = _tc_call(continuous[k:], cat8, W_cont, W_cat)
    return jnp.concatenate([out_sc.reshape(k, 1), out_tc], axis=0)

# --- scband reference (transcript-rebuilt; emitter-appended) ---
"""Pipeline reference for scband-factorization-machine-layer-7189775253944 (READ-ONLY COPY).

The authoritative reference and input builder live on the scoring server;
editing this copy changes nothing except your own understanding.
"""

import jax, jax.numpy as jnp
import numpy as np

B = 1024
D_CONT = 100
VOCAB = 1000
EMB = 64

def setup_inputs(seed: int = 0) -> dict:
    key = jax.random.key(seed)
    k1, k2, k3, k4 = jax.random.split(key, 4)
    continuous = jax.random.normal(k1, (B, D_CONT), dtype=jnp.float32)
    category = jax.random.randint(k2, (B, VOCAB), 0, 2, dtype=jnp.int32)
    W_cont = jax.random.normal(k3, (D_CONT, EMB), dtype=jnp.float32) * 0.02
    W_cat = jax.random.normal(k4, (VOCAB, EMB), dtype=jnp.float32) * 0.02
    return {"continuous": continuous, "category": category, "W_cont": W_cont, "W_cat": W_cat}

def reference(continuous, category, W_cont, W_cat):
    n = continuous.shape[0]
    # idx = arange(D_CONT) repeated over batch; embedding(idx) == broadcast W_cont
    weights = jnp.broadcast_to(W_cont[None, :, :], (n, D_CONT, EMB))
    x = continuous[:, :, None]
    output = x * weights  # [n, D_CONT, EMB]
    mask = (category != 0).astype(W_cat.dtype)  # [n, VOCAB]

    def body(i, res):
        out = W_cat * mask[i][:, None]
        feats = jnp.concatenate([output[i], out], axis=0)
        interaction_mat = jnp.matmul(feats, feats.T)
        interaction = jnp.sum(interaction_mat) * 0.5
        return res.at[i].set(interaction)

    res = jax.lax.fori_loop(0, n, body, jnp.zeros((n,), dtype=output.dtype))
    return res[:, None]

if __name__ == "__main__":
    import jax
    _d = setup_inputs()
    print(jax.jit(kernel)(*tuple(_d.values())))

</pallas_src>

<mosaic_0001>
#map = affine_map<(d0, d1) -> (0)>
module attributes {stable_mosaic.version = 14 : i64} {
  func.func @_sc_body(%arg0: i32, %arg1: i32, %arg2: memref<32256xi32, #tpu.memory_space<hbm>>, %arg3: memref<3584xf32, #tpu.memory_space<hbm>>, %arg4: memref<7168xf32, #tpu.memory_space<hbm>>, %arg5: memref<64512xf32, #tpu.memory_space<hbm>>, %arg6: memref<256xf32, #tpu.memory_space<hbm>>, %arg7: memref<1008xi32, #tpu.memory_space<vmem>>, %arg8: memref<112xf32, #tpu.memory_space<vmem>>, %arg9: memref<7168xf32, #tpu.memory_space<vmem>>, %arg10: memref<64512xf32, #tpu.memory_space<vmem>>, %arg11: memref<1088xi32, #tpu.memory_space<vmem>>, %arg12: memref<16xf32, #tpu.memory_space<vmem>>) attributes {dimension_semantics = [#tpu.dimension_semantics<core_parallel>, #tpu.dimension_semantics<subcore_parallel>], iteration_bounds = array<i64: 2, 16>, scalar_prefetch = 0 : i64, scratch_operands = 6 : i64, tpu.core_type = #tpu.core_type<sc_vector_subcore>, window_params = [{transform_indices = #map}, {transform_indices = #map}, {transform_indices = #map}, {transform_indices = #map}, {transform_indices = #map}]} {
    %mul3A = arith.constant 2 : i32
    %mul3A_0 = arith.muli %arg1, %mul3A : i32
    %add3A = arith.addi %mul3A_0, %arg0 : i32
    %mul3A_1 = arith.constant 1 : i32
    %mul3A_2 = arith.muli %add3A, %mul3A_1 : i32
    %mul3A_3 = arith.constant 1008 : i32
    %mul3A_4 = arith.muli %mul3A_2, %mul3A_3 : i32
    "tpu.region"() ({
      %run_scoped3A = tpu.sem_alloc : memref<!tpu.dma_semaphore, #tpu.memory_space<semaphore_mem>>
      %dma_start3A = tpu.memref_slice %arg2[%mul3A_4] : memref<32256xi32, #tpu.memory_space<hbm>> -> memref<1008xi32, #tpu.memory_space<hbm>>
      %dma_start3A_219 = tpu.memref_slice %arg2[%mul3A_4] : memref<32256xi32, #tpu.memory_space<hbm>> -> memref<1008xi32, #tpu.memory_space<hbm>>
      tpu.enqueue_dma source(%dma_start3A_219 : memref<1008xi32, #tpu.memory_space<hbm>>) target(%arg7 : memref<1008xi32, #tpu.memory_space<vmem>>) target_semaphore(%run_scoped3A : memref<!tpu.dma_semaphore, #tpu.memory_space<semaphore_mem>>)
      %dma_wait3A = tpu.memref_slice %arg2[%mul3A_4] : memref<32256xi32, #tpu.memory_space<hbm>> -> memref<1008xi32, #tpu.memory_space<hbm>>
      %dma_wait3A_220 = tpu.memref_slice %arg2[%mul3A_4] : memref<32256xi32, #tpu.memory_space<hbm>> -> memref<1008xi32, #tpu.memory_space<hbm>>
      tpu.wait_dma2 semaphore(%run_scoped3A : memref<!tpu.dma_semaphore, #tpu.memory_space<semaphore_mem>>) src(%dma_wait3A_220 : memref<1008xi32, #tpu.memory_space<hbm>>) dst(%arg7 : memref<1008xi32, #tpu.memory_space<vmem>>)
      tpu.yield
    }) : () -> ()
    %mul3A_5 = arith.constant 112 : i32
    %mul3A_6 = arith.muli %mul3A_2, %mul3A_5 : i32
    "tpu.region"() ({
      %run_scoped3A = tpu.sem_alloc : memref<!tpu.dma_semaphore, #tpu.memory_space<semaphore_mem>>
      %dma_start3A = tpu.memref_slice %arg3[%mul3A_6] : memref<3584xf32, #tpu.memory_space<hbm>> -> memref<112xf32, #tpu.memory_space<hbm>>
      %dma_start3A_219 = tpu.memref_slice %arg3[%mul3A_6] : memref<3584xf32, #tpu.memory_space<hbm>> -> memref<112xf32, #tpu.memory_space<hbm>>
      tpu.enqueue_dma source(%dma_start3A_219 : memref<112xf32, #tpu.memory_space<hbm>>) target(%arg8 : memref<112xf32, #tpu.memory_space<vmem>>) target_semaphore(%run_scoped3A : memref<!tpu.dma_semaphore, #tpu.memory_space<semaphore_mem>>)
      %dma_wait3A = tpu.memref_slice %arg3[%mul3A_6] : memref<3584xf32, #tpu.memory_space<hbm>> -> memref<112xf32, #tpu.memory_space<hbm>>
      %dma_wait3A_220 = tpu.memref_slice %arg3[%mul3A_6] : memref<3584xf32, #tpu.memory_space<hbm>> -> memref<112xf32, #tpu.memory_space<hbm>>
      tpu.wait_dma2 semaphore(%run_scoped3A : memref<!tpu.dma_semaphore, #tpu.memory_space<semaphore_mem>>) src(%dma_wait3A_220 : memref<112xf32, #tpu.memory_space<hbm>>) dst(%arg8 : memref<112xf32, #tpu.memory_space<vmem>>)
      tpu.yield
    }) : () -> ()
    "tpu.region"() ({
      %run_scoped3A = tpu.sem_alloc : memref<!tpu.dma_semaphore, #tpu.memory_space<semaphore_mem>>
      tpu.enqueue_dma source(%arg4 : memref<7168xf32, #tpu.memory_space<hbm>>) target(%arg9 : memref<7168xf32, #tpu.memory_space<vmem>>) target_semaphore(%run_scoped3A : memref<!tpu.dma_semaphore, #tpu.memory_space<semaphore_mem>>)
      tpu.wait_dma2 semaphore(%run_scoped3A : memref<!tpu.dma_semaphore, #tpu.memory_space<semaphore_mem>>) src(%arg4 : memref<7168xf32, #tpu.memory_space<hbm>>) dst(%arg9 : memref<7168xf32, #tpu.memory_space<vmem>>)
      tpu.yield
    }) : () -> ()
    "tpu.region"() ({
      %run_scoped3A = tpu.sem_alloc : memref<!tpu.dma_semaphore, #tpu.memory_space<semaphore_mem>>
      tpu.enqueue_dma source(%arg5 : memref<64512xf32, #tpu.memory_space<hbm>>) target(%arg10 : memref<64512xf32, #tpu.memory_space<vmem>>) target_semaphore(%run_scoped3A : memref<!tpu.dma_semaphore, #tpu.memory_space<semaphore_mem>>)
      tpu.wait_dma2 semaphore(%run_scoped3A : memref<!tpu.dma_semaphore, #tpu.memory_space<semaphore_mem>>) src(%arg5 : memref<64512xf32, #tpu.memory_space<hbm>>) dst(%arg10 : memref<64512xf32, #tpu.memory_space<vmem>>)
      tpu.yield
    }) : () -> ()
    %iota3A = tpu.iota {dimensions = array<i32: 0>} : vector<16xi32>
    %broadcast_in_dim3A = arith.constant 0.000000e+00 : f32
    %broadcast_in_dim3A_7 = vector.broadcast %broadcast_in_dim3A : f32 to vector<16xf32>
    %broadcast_in_dim3A_8 = arith.constant 0 : i32
    %broadcast_in_dim3A_9 = vector.broadcast %broadcast_in_dim3A_8 : i32 to vector<16xi32>
    %broadcast_in_dim3A_10 = arith.constant 1007 : i32
    %broadcast_in_dim3A_11 = vector.broadcast %broadcast_in_dim3A_10 : i32 to vector<16xi32>
    %scan3A = arith.constant 0 : i32
    %scan3A_12 = arith.constant 0 : i32
    %scan3A_13 = arith.constant 63 : i32
    %scan3A_14 = arith.addi %scan3A_12, %scan3A_13 : i32
    %scan3A_15 = arith.constant 1 : i32
    %scan3A_16 = scf.for %scan3A_219 = %scan3A_12 to %scan3A_14 step %scan3A_15 iter_args(%scan3A_220 = %broadcast_in_dim3A_9) -> (vector<16xi32>)  : i32 {
      %mul3A_221 = arith.constant 1008 : i32
      %mul3A_222 = arith.muli %scan3A, %mul3A_221 : i32
      %mul3A_223 = arith.constant 16 : i32
      %mul3A_224 = arith.muli %scan3A_219, %mul3A_223 : i32
      %add3A_225 = arith.addi %mul3A_222, %mul3A_224 : i32
      %get3A = arith.index_cast %add3A_225 : i32 to index
      %get3A_226 = tpu.vector_load %arg7[%get3A] {strides = array<i32>} : memref<1008xi32, #tpu.memory_space<vmem>>, vector<16xi32>,
      %ne3A_227 = arith.constant 0 : i32
      %ne3A_228 = vector.broadcast %ne3A_227 : i32 to vector<16xi32>
      %ne3A_229 = arith.cmpi ne, %get3A_226, %ne3A_228 : vector<16xi32>
      %jit3A_230 = arith.constant 1 : i32
      %broadcast_in_dim3A_231 = vector.broadcast %jit3A_230 : i32 to vector<16xi32>
      %select_n3A_232 = arith.select %ne3A_229, %broadcast_in_dim3A_231, %broadcast_in_dim3A_9 : vector<16xi1>, vector<16xi32>
      %sub3A_233 = arith.constant 1 : i32
      %sub3A_234 = vector.broadcast %sub3A_233 : i32 to vector<16xi32>
      %sub3A_235 = arith.subi %iota3A, %sub3A_234 : vector<16xi32>
      %max3A = arith.constant 0 : i32
      %max3A_236 = vector.broadcast %max3A : i32 to vector<16xi32>
      %max3A_237 = arith.maxsi %sub3A_235, %max3A_236 : vector<16xi32>
      %lt3A_238 = arith.constant 0 : i32
      %lt3A_239 = vector.broadcast %lt3A_238 : i32 to vector<16xi32>
      %lt3A_240 = arith.cmpi slt, %max3A_237, %lt3A_239 : vector<16xi32>
      %add3A_241 = arith.constant 16 : i32
      %add3A_242 = vector.broadcast %add3A_241 : i32 to vector<16xi32>
      %add3A_243 = arith.addi %max3A_237, %add3A_242 : vector<16xi32>
      %select_n3A_244 = arith.select %lt3A_240, %add3A_243, %max3A_237 : vector<16xi1>, vector<16xi32>
      %broadcast_in_dim3A_245 = vector.shape_cast %select_n3A_244 : vector<16xi32> to vector<16x1xi32>
      %gather3A_246 = vector.shape_cast %broadcast_in_dim3A_245 : vector<16x1xi32> to vector<16xi32>
      %gather3A_247 = tpu.dynamic_gather %select_n3A_232[%gather3A_246] in [0] : vector<16xi32>, vector<16xi32> -> vector<16xi32>
      %ge3A = arith.constant 1 : i32
      %ge3A_248 = vector.broadcast %ge3A : i32 to vector<16xi32>
      %ge3A_249 = arith.cmpi sge, %iota3A, %ge3A_248 : vector<16xi32>
      %select_n3A_250 = arith.select %ge3A_249, %gather3A_247, %broadcast_in_dim3A_9 : vector<16xi1>, vector<16xi32>
      %add3A_251 = arith.addi %select_n3A_232, %select_n3A_250 : vector<16xi32>
      %sub3A_252 = arith.constant 2 : i32
      %sub3A_253 = vector.broadcast %sub3A_252 : i32 to vector<16xi32>
      %sub3A_254 = arith.subi %iota3A, %sub3A_253 : vector<16xi32>
      %max3A_255 = arith.constant 0 : i32
      %max3A_256 = vector.broadcast %max3A_255 : i32 to vector<16xi32>
      %max3A_257 = arith.maxsi %sub3A_254, %max3A_256 : vector<16xi32>
      %lt3A_258 = arith.constant 0 : i32
      %lt3A_259 = vector.broadcast %lt3A_258 : i32 to vector<16xi32>
      %lt3A_260 = arith.cmpi slt, %max3A_257, %lt3A_259 : vector<16xi32>
      %add3A_261 = arith.constant 16 : i32
      %add3A_262 = vector.broadcast %add3A_261 : i32 to vector<16xi32>
      %add3A_263 = arith.addi %max3A_257, %add3A_262 : vector<16xi32>
      %select_n3A_264 = arith.select %lt3A_260, %add3A_263, %max3A_257 : vector<16xi1>, vector<16xi32>
      %broadcast_in_dim3A_265 = vector.shape_cast %select_n3A_264 : vector<16xi32> to vector<16x1xi32>
      %gather3A_266 = vector.shape_cast %broadcast_in_dim3A_265 : vector<16x1xi32> to vector<16xi32>
      %gather3A_267 = tpu.dynamic_gather %add3A_251[%gather3A_266] in [0] : vector<16xi32>, vector<16xi32> -> vector<16xi32>
      %ge3A_268 = arith.constant 2 : i32
      %ge3A_269 = vector.broadcast %ge3A_268 : i32 to vector<16xi32>
      %ge3A_270 = arith.cmpi sge, %iota3A, %ge3A_269 : vector<16xi32>
      %select_n3A_271 = arith.select %ge3A_270, %gather3A_267, %broadcast_in_dim3A_9 : vector<16xi1>, vector<16xi32>
      %add3A_272 = arith.addi %add3A_251, %select_n3A_271 : vector<16xi32>
      %sub3A_273 = arith.constant 4 : i32
      %sub3A_274 = vector.broadcast %sub3A_273 : i32 to vector<16xi32>
      %sub3A_275 = arith.subi %iota3A, %sub3A_274 : vector<16xi32>
      %max3A_276 = arith.constant 0 : i32
      %max3A_277 = vector.broadcast %max3A_276 : i32 to vector<16xi32>
      %max3A_278 = arith.maxsi %sub3A_275, %max3A_277 : vector<16xi32>
      %lt3A_279 = arith.constant 0 : i32
      %lt3A_280 = vector.broadcast %lt3A_279 : i32 to vector<16xi32>
      %lt3A_281 = arith.cmpi slt, %max3A_278, %lt3A_280 : vector<16xi32>
      %add3A_282 = arith.constant 16 : i32
      %add3A_283 = vector.broadcast %add3A_282 : i32 to vector<16xi32>
      %add3A_284 = arith.addi %max3A_278, %add3A_283 : vector<16xi32>
      %select_n3A_285 = arith.select %lt3A_281, %add3A_284, %max3A_278 : vector<16xi1>, vector<16xi32>
      %broadcast_in_dim3A_286 = vector.shape_cast %select_n3A_285 : vector<16xi32> to vector<16x1xi32>
      %gather3A_287 = vector.shape_cast %broadcast_in_dim3A_286 : vector<16x1xi32> to vector<16xi32>
      %gather3A_288 = tpu.dynamic_gather %add3A_272[%gather3A_287] in [0] : vector<16xi32>, vector<16xi32> -> vector<16xi32>
      %ge3A_289 = arith.constant 4 : i32
      %ge3A_290 = vector.broadcast %ge3A_289 : i32 to vector<16xi32>
      %ge3A_291 = arith.cmpi sge, %iota3A, %ge3A_290 : vector<16xi32>
      %select_n3A_292 = arith.select %ge3A_291, %gather3A_288, %broadcast_in_dim3A_9 : vector<16xi1>, vector<16xi32>
      %add3A_293 = arith.addi %add3A_272, %select_n3A_292 : vector<16xi32>
      %sub3A_294 = arith.constant 8 : i32
      %sub3A_295 = vector.broadcast %sub3A_294 : i32 to vector<16xi32>
      %sub3A_296 = arith.subi %iota3A, %sub3A_295 : vector<16xi32>
      %max3A_297 = arith.constant 0 : i32
      %max3A_298 = vector.broadcast %max3A_297 : i32 to vector<16xi32>
      %max3A_299 = arith.maxsi %sub3A_296, %max3A_298 : vector<16xi32>
      %lt3A_300 = arith.constant 0 : i32
      %lt3A_301 = vector.broadcast %lt3A_300 : i32 to vector<16xi32>
      %lt3A_302 = arith.cmpi slt, %max3A_299, %lt3A_301 : vector<16xi32>
      %add3A_303 = arith.constant 16 : i32
      %add3A_304 = vector.broadcast %add3A_303 : i32 to vector<16xi32>
      %add3A_305 = arith.addi %max3A_299, %add3A_304 : vector<16xi32>
      %select_n3A_306 = arith.select %lt3A_302, %add3A_305, %max3A_299 : vector<16xi1>, vector<16xi32>
      %broadcast_in_dim3A_307 = vector.shape_cast %select_n3A_306 : vector<16xi32> to vector<16x1xi32>
      %gather3A_308 = vector.shape_cast %broadcast_in_dim3A_307 : vector<16x1xi32> to vector<16xi32>
      %gather3A_309 = tpu.dynamic_gather %add3A_293[%gather3A_308] in [0] : vector<16xi32>, vector<16xi32> -> vector<16xi32>
      %ge3A_310 = arith.constant 8 : i32
      %ge3A_311 = vector.broadcast %ge3A_310 : i32 to vector<16xi32>
      %ge3A_312 = arith.cmpi sge, %iota3A, %ge3A_311 : vector<16xi32>
      %select_n3A_313 = arith.select %ge3A_312, %gather3A_309, %broadcast_in_dim3A_9 : vector<16xi1>, vector<16xi32>
      %add3A_314 = arith.addi %add3A_293, %select_n3A_313 : vector<16xi32>
      %add3A_315 = arith.addi %scan3A_220, %add3A_314 : vector<16xi32>
      %sub3A_316 = arith.constant 1 : i32
      %sub3A_317 = vector.broadcast %sub3A_316 : i32 to vector<16xi32>
      %sub3A_318 = arith.subi %add3A_315, %sub3A_317 : vector<16xi32>
      %broadcast_in_dim3A_319 = arith.constant 1072 : i32
      %broadcast_in_dim3A_320 = vector.broadcast %broadcast_in_dim3A_319 : i32 to vector<16xi32>
      %select_n3A_321 = arith.select %ne3A_229, %sub3A_318, %broadcast_in_dim3A_320 : vector<16xi1>, vector<16xi32>
      %mul3A_322 = arith.constant 16 : i32
      %mul3A_323 = arith.muli %scan3A_219, %mul3A_322 : i32
      %add3A_324 = vector.broadcast %mul3A_323 : i32 to vector<16xi32>
      %add3A_325 = arith.addi %iota3A, %add3A_324 : vector<16xi32>
      tpu.vector_store_idx %arg11[%select_n3A_321], %add3A_325 : memref<1088xi32, #tpu.memory_space<vmem>>[vector<16xi32>], vector<16xi32>,
      %all_reduce_population_count3A = tpu.all_reduce %ne3A_229 {dim = 0 : i64, kind = #tpu.reduction_kind<sum>} : vector<16xi1> -> vector<16xi32>
      %add3A_326 = arith.addi %scan3A_220, %all_reduce_population_count3A : vector<16xi32>
      scf.yield %add3A_326 : vector<16xi32>
    }
    %scan3A_17 = arith.constant 63 : i32
    %slice3A = vector.extract_strided_slice %scan3A_16 {offsets = [0], sizes = [1], strides = [1]} : vector<16xi32> to vector<1xi32>
    %squeeze3A = vector.extract %slice3A[0] : i32 from vector<1xi32>
    %swap3A = arith.index_cast %squeeze3A : i32 to index
    %swap3A_18 = tpu.vector_load %arg11[%swap3A] {strides = array<i32>} : memref<1088xi32, #tpu.memory_space<vmem>>, vector<16xi32>,
    tpu.vector_store %arg11[%swap3A], %broadcast_in_dim3A_11 {strides = array<i32>} : memref<1088xi32, #tpu.memory_space<vmem>>, vector<16xi32>,
    %add3A_19 = arith.constant 15 : i32
    %add3A_20 = arith.addi %squeeze3A, %add3A_19 : i32
    %jit3A = arith.constant 16 : i32
    %div3A = arith.divsi %add3A_20, %jit3A : i32
    %sign3A = arith.constant 0 : i32
    %sign3A_21 = arith.cmpi sgt, %add3A_20, %sign3A : i32
    %sign3A_22 = arith.extui %sign3A_21 : i1 to i32
    %sign3A_23 = arith.constant 0 : i32
    %sign3A_24 = arith.cmpi slt, %add3A_20, %sign3A_23 : i32
    %sign3A_25 = arith.extui %sign3A_24 : i1 to i32
    %sign3A_26 = arith.subi %sign3A_22, %sign3A_25 : i32
    %sign3A_27 = arith.constant 0 : i32
    %sign3A_28 = arith.cmpi sgt, %jit3A, %sign3A_27 : i32
    %sign3A_29 = arith.extui %sign3A_28 : i1 to i32
    %sign3A_30 = arith.constant 0 : i32
    %sign3A_31 = arith.cmpi slt, %jit3A, %sign3A_30 : i32
    %sign3A_32 = arith.extui %sign3A_31 : i1 to i32
    %sign3A_33 = arith.subi %sign3A_29, %sign3A_32 : i32
    %ne3A = arith.cmpi ne, %sign3A_26, %sign3A_33 : i32
    %rem3A = arith.remsi %add3A_20, %jit3A : i32
    %ne3A_34 = arith.constant 0 : i32
    %ne3A_35 = arith.cmpi ne, %rem3A, %ne3A_34 : i32
    %and3A = arith.andi %ne3A, %ne3A_35 : i1
    %sub3A = arith.constant 1 : i32
    %sub3A_36 = arith.subi %div3A, %sub3A : i32
    %select_n3A = arith.select %and3A, %sub3A_36, %div3A : i32
    %while3A = arith.constant 0 : i32
    %while3A_37 = arith.subi %select_n3A, %while3A : i32
    %while3A_38 = arith.addi %while3A, %while3A_37 : i32
    %while3A_39 = arith.constant 1 : i32
    %while3A_40 = arith.divsi %while3A_37, %while3A_39 : i32
    %while3A_41 = arith.muli %while3A_40, %while3A_39 : i32
    %while3A_42 = arith.addi %while3A, %while3A_41 : i32
    %while3A_43 = arith.constant 1 : i32
    %while3A_44:8 = scf.for %while3A_219 = %while3A to %while3A_42 step %while3A_43 iter_args(%while3A_220 = %broadcast_in_dim3A_7, %while3A_221 = %broadcast_in_dim3A_7, %while3A_222 = %broadcast_in_dim3A_7, %while3A_223 = %broadcast_in_dim3A_7, %while3A_224 = %broadcast_in_dim3A_7, %while3A_225 = %broadcast_in_dim3A_7, %while3A_226 = %broadcast_in_dim3A_7, %while3A_227 = %broadcast_in_dim3A_7) -> (vector<16xf32>, vector<16xf32>, vector<16xf32>, vector<16xf32>, vector<16xf32>, vector<16xf32>, vector<16xf32>, vector<16xf32>)  : i32 {
      %mul3A_228 = arith.constant 16 : i32
      %mul3A_229 = arith.muli %while3A_219, %mul3A_228 : i32
      %get3A = arith.index_cast %mul3A_229 : i32 to index
      %get3A_230 = tpu.vector_load %arg11[%get3A] {strides = array<i32>} : memref<1088xi32, #tpu.memory_space<vmem>>, vector<16xi32>,
      %mul3A_231 = arith.constant 64 : i32
      %mul3A_232 = vector.broadcast %mul3A_231 : i32 to vector<16xi32>
      %mul3A_233 = arith.muli %get3A_230, %mul3A_232 : vector<16xi32>
      %slice3A_234 = vector.extract_strided_slice %mul3A_233 {offsets = [0], sizes = [1], strides = [1]} : vector<16xi32> to vector<1xi32>
      %squeeze3A_235 = vector.extract %slice3A_234[0] : i32 from vector<1xi32>
      %get3A_236 = arith.index_cast %squeeze3A_235 : i32 to index
      %get3A_237 = tpu.vector_load %arg10[%get3A_236] {strides = array<i32>} : memref<64512xf32, #tpu.memory_space<vmem>>, vector<16xf32>,
      %add3A_238 = arith.addf %while3A_220, %get3A_237 : vector<16xf32>
      %add3A_239 = arith.constant 16 : i32
      %add3A_240 = arith.addi %squeeze3A_235, %add3A_239 : i32
      %get3A_241 = arith.index_cast %add3A_240 : i32 to index
      %get3A_242 = tpu.vector_load %arg10[%get3A_241] {strides = array<i32>} : memref<64512xf32, #tpu.memory_space<vmem>>, vector<16xf32>,
      %add3A_243 = arith.addf %while3A_221, %get3A_242 : vector<16xf32>
      %add3A_244 = arith.constant 32 : i32
      %add3A_245 = arith.addi %squeeze3A_235, %add3A_244 : i32
      %get3A_246 = arith.index_cast %add3A_245 : i32 to index
      %get3A_247 = tpu.vector_load %arg10[%get3A_246] {strides = array<i32>} : memref<64512xf32, #tpu.memory_space<vmem>>, vector<16xf32>,
      %add3A_248 = arith.addf %while3A_222, %get3A_247 : vector<16xf32>
      %add3A_249 = arith.constant 48 : i32
      %add3A_250 = arith.addi %squeeze3A_235, %add3A_249 : i32
      %get3A_251 = arith.index_cast %add3A_250 : i32 to index
      %get3A_252 = tpu.vector_load %arg10[%get3A_251] {strides = array<i32>} : memref<64512xf32, #tpu.memory_space<vmem>>, vector<16xf32>,
      %add3A_253 = arith.addf %while3A_223, %get3A_252 : vector<16xf32>
      %slice3A_254 = vector.extract_strided_slice %mul3A_233 {offsets = [1], sizes = [1], strides = [1]} : vector<16xi32> to vector<1xi32>
      %squeeze3A_255 = vector.extract %slice3A_254[0] : i32 from vector<1xi32>
      %get3A_256 = arith.index_cast %squeeze3A_255 : i32 to index
      %get3A_257 = tpu.vector_load %arg10[%get3A_256] {strides = array<i32>} : memref<64512xf32, #tpu.memory_space<vmem>>, vector<16xf32>,
      %add3A_258 = arith.addf %while3A_224, %get3A_257 : vector<16xf32>
      %add3A_259 = arith.constant 16 : i32
      %add3A_260 = arith.addi %squeeze3A_255, %add3A_259 : i32
      %get3A_261 = arith.index_cast %add3A_260 : i32 to index
      %get3A_262 = tpu.vector_load %arg10[%get3A_261] {strides = array<i32>} : memref<64512xf32, #tpu.memory_space<vmem>>, vector<16xf32>,
      %add3A_263 = arith.addf %while3A_225, %get3A_262 : vector<16xf32>
      %add3A_264 = arith.constant 32 : i32
      %add3A_265 = arith.addi %squeeze3A_255, %add3A_264 : i32
      %get3A_266 = arith.index_cast %add3A_265 : i32 to index
      %get3A_267 = tpu.vector_load %arg10[%get3A_266] {strides = array<i32>} : memref<64512xf32, #tpu.memory_space<vmem>>, vector<16xf32>,
      %add3A_268 = arith.addf %while3A_226, %get3A_267 : vector<16xf32>
      %add3A_269 = arith.constant 48 : i32
      %add3A_270 = arith.addi %squeeze3A_255, %add3A_269 : i32
      %get3A_271 = arith.index_cast %add3A_270 : i32 to index
      %get3A_272 = tpu.vector_load %arg10[%get3A_271] {strides = array<i32>} : memref<64512xf32, #tpu.memory_space<vmem>>, vector<16xf32>,
      %add3A_273 = arith.addf %while3A_227, %get3A_272 : vector<16xf32>
      %slice3A_274 = vector.extract_strided_slice %mul3A_233 {offsets = [2], sizes = [1], strides = [1]} : vector<16xi32> to vector<1xi32>
      %squeeze3A_275 = vector.extract %slice3A_274[0] : i32 from vector<1xi32>
      %get3A_276 = arith.index_cast %squeeze3A_275 : i32 to index
      %get3A_277 = tpu.vector_load %arg10[%get3A_276] {strides = array<i32>} : memref<64512xf32, #tpu.memory_space<vmem>>, vector<16xf32>,
      %add3A_278 = arith.addf %add3A_238, %get3A_277 : vector<16xf32>
      %add3A_279 = arith.constant 16 : i32
      %add3A_280 = arith.addi %squeeze3A_275, %add3A_279 : i32
      %get3A_281 = arith.index_cast %add3A_280 : i32 to index
      %get3A_282 = tpu.vector_load %arg10[%get3A_281] {strides = array<i32>} : memref<64512xf32, #tpu.memory_space<vmem>>, vector<16xf32>,
      %add3A_283 = arith.addf %add3A_243, %get3A_282 : vector<16xf32>
      %add3A_284 = arith.constant 32 : i32
      %add3A_285 = arith.addi %squeeze3A_275, %add3A_284 : i32
      %get3A_286 = arith.index_cast %add3A_285 : i32 to index
      %get3A_287 = tpu.vector_load %arg10[%get3A_286] {strides = array<i32>} : memref<64512xf32, #tpu.memory_space<vmem>>, vector<16xf32>,
      %add3A_288 = arith.addf %add3A_248, %get3A_287 : vector<16xf32>
      %add3A_289 = arith.constant 48 : i32
      %add3A_290 = arith.addi %squeeze3A_275, %add3A_289 : i32
      %get3A_291 = arith.index_cast %add3A_290 : i32 to index
      %get3A_292 = tpu.vector_load %arg10[%get3A_291] {strides = array<i32>} : memref<64512xf32, #tpu.memory_space<vmem>>, vector<16xf32>,
      %add3A_293 = arith.addf %add3A_253, %get3A_292 : vector<16xf32>
      %slice3A_294 = vector.extract_strided_slice %mul3A_233 {offsets = [3], sizes = [1], strides = [1]} : vector<16xi32> to vector<1xi32>
      %squeeze3A_295 = vector.extract %slice3A_294[0] : i32 from vector<1xi32>
      %get3A_296 = arith.index_cast %squeeze3A_295 : i32 to index
      %get3A_297 = tpu.vector_load %arg10[%get3A_296] {strides = array<i32>} : memref<64512xf32, #tpu.memory_space<vmem>>, vector<16xf32>,
      %add3A_298 = arith.addf %add3A_258, %get3A_297 : vector<16xf32>
      %add3A_299 = arith.constant 16 : i32
      %add3A_300 = arith.addi %squeeze3A_295, %add3A_299 : i32
      %get3A_301 = arith.index_cast %add3A_300 : i32 to index
      %get3A_302 = tpu.vector_load %arg10[%get3A_301] {strides = array<i32>} : memref<64512xf32, #tpu.memory_space<vmem>>, vector<16xf32>,
      %add3A_303 = arith.addf %add3A_263, %get3A_302 : vector<16xf32>
      %add3A_304 = arith.constant 32 : i32
      %add3A_305 = arith.addi %squeeze3A_295, %add3A_304 : i32
      %get3A_306 = arith.index_cast %add3A_305 : i32 to index
      %get3A_307 = tpu.vector_load %arg10[%get3A_306] {strides = array<i32>} : memref<64512xf32, #tpu.memory_space<vmem>>, vector<16xf32>,
      %add3A_308 = arith.addf %add3A_268, %get3A_307 : vector<16xf32>
      %add3A_309 = arith.constant 48 : i32
      %add3A_310 = arith.addi %squeeze3A_295, %add3A_309 : i32
      %get3A_311 = arith.index_cast %add3A_310 : i32 to index
      %get3A_312 = tpu.vector_load %arg10[%get3A_311] {strides = array<i32>} : memref<64512xf32, #tpu.memory_space<vmem>>, vector<16xf32>,
      %add3A_313 = arith.addf %add3A_273, %get3A_312 : vector<16xf32>
      %slice3A_314 = vector.extract_strided_slice %mul3A_233 {offsets = [4], sizes = [1], strides = [1]} : vector<16xi32> to vector<1xi32>
      %squeeze3A_315 = vector.extract %slice3A_314[0] : i32 from vector<1xi32>
      %get3A_316 = arith.index_cast %squeeze3A_315 : i32 to index
      %get3A_317 = tpu.vector_load %arg10[%get3A_316] {strides = array<i32>} : memref<64512xf32, #tpu.memory_space<vmem>>, vector<16xf32>,
      %add3A_318 = arith.addf %add3A_278, %get3A_317 : vector<16xf32>
      %add3A_319 = arith.constant 16 : i32
      %add3A_320 = arith.addi %squeeze3A_315, %add3A_319 : i32
      %get3A_321 = arith.index_cast %add3A_320 : i32 to index
      %get3A_322 = tpu.vector_load %arg10[%get3A_321] {strides = array<i32>} : memref<64512xf32, #tpu.memory_space<vmem>>, vector<16xf32>,
      %add3A_323 = arith.addf %add3A_283, %get3A_322 : vector<16xf32>
      %add3A_324 = arith.constant 32 : i32
      %add3A_325 = arith.addi %squeeze3A_315, %add3A_324 : i32
      %get3A_326 = arith.index_cast %add3A_325 : i32 to index
      %get3A_327 = tpu.vector_load %arg10[%get3A_326] {strides = array<i32>} : memref<64512xf32, #tpu.memory_space<vmem>>, vector<16xf32>,
      %add3A_328 = arith.addf %add3A_288, %get3A_327 : vector<16xf32>
      %add3A_329 = arith.constant 48 : i32
      %add3A_330 = arith.addi %squeeze3A_315, %add3A_329 : i32
      %get3A_331 = arith.index_cast %add3A_330 : i32 to index
      %get3A_332 = tpu.vector_load %arg10[%get3A_331] {strides = array<i32>} : memref<64512xf32, #tpu.memory_space<vmem>>, vector<16xf32>,
      %add3A_333 = arith.addf %add3A_293, %get3A_332 : vector<16xf32>
      %slice3A_334 = vector.extract_strided_slice %mul3A_233 {offsets = [5], sizes = [1], strides = [1]} : vector<16xi32> to vector<1xi32>
      %squeeze3A_335 = vector.extract %slice3A_334[0] : i32 from vector<1xi32>
      %get3A_336 = arith.index_cast %squeeze3A_335 : i32 to index
      %get3A_337 = tpu.vector_load %arg10[%get3A_336] {strides = array<i32>} : memref<64512xf32, #tpu.memory_space<vmem>>, vector<16xf32>,
      %add3A_338 = arith.addf %add3A_298, %get3A_337 : vector<16xf32>
      %add3A_339 = arith.constant 16 : i32
      %add3A_340 = arith.addi %squeeze3A_335, %add3A_339 : i32
      %get3A_341 = arith.index_cast %add3A_340 : i32 to index
      %get3A_342 = tpu.vector_load %arg10[%get3A_341] {strides = array<i32>} : memref<64512xf32, #tpu.memory_space<vmem>>, vector<16xf32>,
      %add3A_343 = arith.addf %add3A_303, %get3A_342 : vector<16xf32>
      %add3A_344 = arith.constant 32 : i32
      %add3A_345 = arith.addi %squeeze3A_335, %add3A_344 : i32
      %get3A_346 = arith.index_cast %add3A_345 : i32 to index
      %get3A_347 = tpu.vector_load %arg10[%get3A_346] {strides = array<i32>} : memref<64512xf32, #tpu.memory_space<vmem>>, vector<16xf32>,
      %add3A_348 = arith.addf %add3A_308, %get3A_347 : vector<16xf32>
      %add3A_349 = arith.constant 48 : i32
      %add3A_350 = arith.addi %squeeze3A_335, %add3A_349 : i32
      %get3A_351 = arith.index_cast %add3A_350 : i32 to index
      %get3A_352 = tpu.vector_load %arg10[%get3A_351] {strides = array<i32>} : memref<64512xf32, #tpu.memory_space<vmem>>, vector<16xf32>,
      %add3A_353 = arith.addf %add3A_313, %get3A_352 : vector<16xf32>
      %slice3A_354 = vector.extract_strided_slice %mul3A_233 {offsets = [6], sizes = [1], strides = [1]} : vector<16xi32> to vector<1xi32>
      %squeeze3A_355 = vector.extract %slice3A_354[0] : i32 from vector<1xi32>
      %get3A_356 = arith.index_cast %squeeze3A_355 : i32 to index
      %get3A_357 = tpu.vector_load %arg10[%get3A_356] {strides = array<i32>} : memref<64512xf32, #tpu.memory_space<vmem>>, vector<16xf32>,
      %add3A_358 = arith.addf %add3A_318, %get3A_357 : vector<16xf32>
      %add3A_359 = arith.constant 16 : i32
      %add3A_360 = arith.addi %squeeze3A_355, %add3A_359 : i32
      %get3A_361 = arith.index_cast %add3A_360 : i32 to index
      %get3A_362 = tpu.vector_load %arg10[%get3A_361] {strides = array<i32>} : memref<64512xf32, #tpu.memory_space<vmem>>, vector<16xf32>,
      %add3A_363 = arith.addf %add3A_323, %get3A_362 : vector<16xf32>
      %add3A_364 = arith.constant 32 : i32
      %add3A_365 = arith.addi %squeeze3A_355, %add3A_364 : i32
      %get3A_366 = arith.index_cast %add3A_365 : i32 to index
      %get3A_367 = tpu.vector_load %arg10[%get3A_366] {strides = array<i32>} : memref<64512xf32, #tpu.memory_space<vmem>>, vector<16xf32>,
      %add3A_368 = arith.addf %add3A_328, %get3A_367 : vector<16xf32>
      %add3A_369 = arith.constant 48 : i32
      %add3A_370 = arith.addi %squeeze3A_355, %add3A_369 : i32
      %get3A_371 = arith.index_cast %add3A_370 : i32 to index
      %get3A_372 = tpu.vector_load %arg10[%get3A_371] {strides = array<i32>} : memref<64512xf32, #tpu.memory_space<vmem>>, vector<16xf32>,
      %add3A_373 = arith.addf %add3A_333, %get3A_372 : vector<16xf32>
      %slice3A_374 = vector.extract_strided_slice %mul3A_233 {offsets = [7], sizes = [1], strides = [1]} : vector<16xi32> to vector<1xi32>
      %squeeze3A_375 = vector.extract %slice3A_374[0] : i32 from vector<1xi32>
      %get3A_376 = arith.index_cast %squeeze3A_375 : i32 to index
      %get3A_377 = tpu.vector_load %arg10[%get3A_376] {strides = array<i32>} : memref<64512xf32, #tpu.memory_space<vmem>>, vector<16xf32>,
      %add3A_378 = arith.addf %add3A_338, %get3A_377 : vector<16xf32>
      %add3A_379 = arith.constant 16 : i32
      %add3A_380 = arith.addi %squeeze3A_375, %add3A_379 : i32
      %get3A_381 = arith.index_cast %add3A_380 : i32 to index
      %get3A_382 = tpu.vector_load %arg10[%get3A_381] {strides = array<i32>} : memref<64512xf32, #tpu.memory_space<vmem>>, vector<16xf32>,
      %add3A_383 = arith.addf %add3A_343, %get3A_382 : vector<16xf32>
      %add3A_384 = arith.constant 32 : i32
      %add3A_385 = arith.addi %squeeze3A_375, %add3A_384 : i32
      %get3A_386 = arith.index_cast %add3A_385 : i32 to index
      %get3A_387 = tpu.vector_load %arg10[%get3A_386] {strides = array<i32>} : memref<64512xf32, #tpu.memory_space<vmem>>, vector<16xf32>,
      %add3A_388 = arith.addf %add3A_348, %get3A_387 : vector<16xf32>
      %add3A_389 = arith.constant 48 : i32
      %add3A_390 = arith.addi %squeeze3A_375, %add3A_389 : i32
      %get3A_391 = arith.index_cast %add3A_390 : i32 to index
      %get3A_392 = tpu.vector_load %arg10[%get3A_391] {strides = array<i32>} : memref<64512xf32, #tpu.memory_space<vmem>>, vector<16xf32>,
      %add3A_393 = arith.addf %add3A_353, %get3A_392 : vector<16xf32>
      %slice3A_394 = vector.extract_strided_slice %mul3A_233 {offsets = [8], sizes = [1], strides = [1]} : vector<16xi32> to vector<1xi32>
      %squeeze3A_395 = vector.extract %slice3A_394[0] : i32 from vector<1xi32>
      %get3A_396 = arith.index_cast %squeeze3A_395 : i32 to index
      %get3A_397 = tpu.vector_load %arg10[%get3A_396] {strides = array<i32>} : memref<64512xf32, #tpu.memory_space<vmem>>, vector<16xf32>,
      %add3A_398 = arith.addf %add3A_358, %get3A_397 : vector<16xf32>
      %add3A_399 = arith.constant 16 : i32
      %add3A_400 = arith.addi %squeeze3A_395, %add3A_399 : i32
      %get3A_401 = arith.index_cast %add3A_400 : i32 to index
      %get3A_402 = tpu.vector_load %arg10[%get3A_401] {strides = array<i32>} : memref<64512xf32, #tpu.memory_space<vmem>>, vector<16xf32>,
      %add3A_403 = arith.addf %add3A_363, %get3A_402 : vector<16xf32>
      %add3A_404 = arith.constant 32 : i32
      %add3A_405 = arith.addi %squeeze3A_395, %add3A_404 : i32
      %get3A_406 = arith.index_cast %add3A_405 : i32 to index
      %get3A_407 = tpu.vector_load %arg10[%get3A_406] {strides = array<i32>} : memref<64512xf32, #tpu.memory_space<vmem>>, vector<16xf32>,
      %add3A_408 = arith.addf %add3A_368, %get3A_407 : vector<16xf32>
      %add3A_409 = arith.constant 48 : i32
      %add3A_410 = arith.addi %squeeze3A_395, %add3A_409 : i32
      %get3A_411 = arith.index_cast %add3A_410 : i32 to index
      %get3A_412 = tpu.vector_load %arg10[%get3A_411] {strides = array<i32>} : memref<64512xf32, #tpu.memory_space<vmem>>, vector<16xf32>,
      %add3A_413 = arith.addf %add3A_373, %get3A_412 : vector<16xf32>
      %slice3A_414 = vector.extract_strided_slice %mul3A_233 {offsets = [9], sizes = [1], strides = [1]} : vector<16xi32> to vector<1xi32>
      %squeeze3A_415 = vector.extract %slice3A_414[0] : i32 from vector<1xi32>
      %get3A_416 = arith.index_cast %squeeze3A_415 : i32 to index
      %get3A_417 = tpu.vector_load %arg10[%get3A_416] {strides = array<i32>} : memref<64512xf32, #tpu.memory_space<vmem>>, vector<16xf32>,
      %add3A_418 = arith.addf %add3A_378, %get3A_417 : vector<16xf32>
      %add3A_419 = arith.constant 16 : i32
      %add3A_420 = arith.addi %squeeze3A_415, %add3A_419 : i32
      %get3A_421 = arith.index_cast %add3A_420 : i32 to index
      %get3A_422 = tpu.vector_load %arg10[%get3A_421] {strides = array<i32>} : memref<64512xf32, #tpu.memory_space<vmem>>, vector<16xf32>,
      %add3A_423 = arith.addf %add3A_383, %get3A_422 : vector<16xf32>
      %add3A_424 = arith.constant 32 : i32
      %add3A_425 = arith.addi %squeeze3A_415, %add3A_424 : i32
      %get3A_426 = arith.index_cast %add3A_425 : i32 to index
      %get3A_427 = tpu.vector_load %arg10[%get3A_426] {strides = array<i32>} : memref<64512xf32, #tpu.memory_space<vmem>>, vector<16xf32>,
      %add3A_428 = arith.addf %add3A_388, %get3A_427 : vector<16xf32>
      %add3A_429 = arith.constant 48 : i32
      %add3A_430 = arith.addi %squeeze3A_415, %add3A_429 : i32
      %get3A_431 = arith.index_cast %add3A_430 : i32 to index
      %get3A_432 = tpu.vector_load %arg10[%get3A_431] {strides = array<i32>} : memref<64512xf32, #tpu.memory_space<vmem>>, vector<16xf32>,
      %add3A_433 = arith.addf %add3A_393, %get3A_432 : vector<16xf32>
      %slice3A_434 = vector.extract_strided_slice %mul3A_233 {offsets = [10], sizes = [1], strides = [1]} : vector<16xi32> to vector<1xi32>
      %squeeze3A_435 = vector.extract %slice3A_434[0] : i32 from vector<1xi32>
      %get3A_436 = arith.index_cast %squeeze3A_435 : i32 to index
      %get3A_437 = tpu.vector_load %arg10[%get3A_436] {strides = array<i32>} : memref<64512xf32, #tpu.memory_space<vmem>>, vector<16xf32>,
      %add3A_438 = arith.addf %add3A_398, %get3A_437 : vector<16xf32>
      %add3A_439 = arith.constant 16 : i32
      %add3A_440 = arith.addi %squeeze3A_435, %add3A_439 : i32
      %get3A_441 = arith.index_cast %add3A_440 : i32 to index
      %get3A_442 = tpu.vector_load %arg10[%get3A_441] {strides = array<i32>} : memref<64512xf32, #tpu.memory_space<vmem>>, vector<16xf32>,
      %add3A_443 = arith.addf %add3A_403, %get3A_442 : vector<16xf32>
      %add3A_444 = arith.constant 32 : i32
      %add3A_445 = arith.addi %squeeze3A_435, %add3A_444 : i32
      %get3A_446 = arith.index_cast %add3A_445 : i32 to index
      %get3A_447 = tpu.vector_load %arg10[%get3A_446] {strides = array<i32>} : memref<64512xf32, #tpu.memory_space<vmem>>, vector<16xf32>,
      %add3A_448 = arith.addf %add3A_408, %get3A_447 : vector<16xf32>
      %add3A_449 = arith.constant 48 : i32
      %add3A_450 = arith.addi %squeeze3A_435, %add3A_449 : i32
      %get3A_451 = arith.index_cast %add3A_450 : i32 to index
      %get3A_452 = tpu.vector_load %arg10[%get3A_451] {strides = array<i32>} : memref<64512xf32, #tpu.memory_space<vmem>>, vector<16xf32>,
      %add3A_453 = arith.addf %add3A_413, %get3A_452 : vector<16xf32>
      %slice3A_454 = vector.extract_strided_slice %mul3A_233 {offsets = [11], sizes = [1], strides = [1]} : vector<16xi32> to vector<1xi32>
      %squeeze3A_455 = vector.extract %slice3A_454[0] : i32 from vector<1xi32>
      %get3A_456 = arith.index_cast %squeeze3A_455 : i32 to index
      %get3A_457 = tpu.vector_load %arg10[%get3A_456] {strides = array<i32>} : memref<64512xf32, #tpu.memory_space<vmem>>, vector<16xf32>,
      %add3A_458 = arith.addf %add3A_418, %get3A_457 : vector<16xf32>
      %add3A_459 = arith.constant 16 : i32
      %add3A_460 = arith.addi %squeeze3A_455, %add3A_459 : i32
      %get3A_461 = arith.index_cast %add3A_460 : i32 to index
      %get3A_462 = tpu.vector_load %arg10[%get3A_461] {strides = array<i32>} : memref<64512xf32, #tpu.memory_space<vmem>>, vector<16xf32>,
      %add3A_463 = arith.addf %add3A_423, %get3A_462 : vector<16xf32>
      %add3A_464 = arith.constant 32 : i32
      %add3A_465 = arith.addi %squeeze3A_455, %add3A_464 : i32
      %get3A_466 = arith.index_cast %add3A_465 : i32 to index
      %get3A_467 = tpu.vector_load %arg10[%get3A_466] {strides = array<i32>} : memref<64512xf32, #tpu.memory_space<vmem>>, vector<16xf32>,
      %add3A_468 = arith.addf %add3A_428, %get3A_467 : vector<16xf32>
      %add3A_469 = arith.constant 48 : i32
      %add3A_470 = arith.addi %squeeze3A_455, %add3A_469 : i32
      %get3A_471 = arith.index_cast %add3A_470 : i32 to index
      %get3A_472 = tpu.vector_load %arg10[%get3A_471] {strides = array<i32>} : memref<64512xf32, #tpu.memory_space<vmem>>, vector<16xf32>,
      %add3A_473 = arith.addf %add3A_433, %get3A_472 : vector<16xf32>
      %slice3A_474 = vector.extract_strided_slice %mul3A_233 {offsets = [12], sizes = [1], strides = [1]} : vector<16xi32> to vector<1xi32>
      %squeeze3A_475 = vector.extract %slice3A_474[0] : i32 from vector<1xi32>
      %get3A_476 = arith.index_cast %squeeze3A_475 : i32 to index
      %get3A_477 = tpu.vector_load %arg10[%get3A_476] {strides = array<i32>} : memref<64512xf32, #tpu.memory_space<vmem>>, vector<16xf32>,
      %add3A_478 = arith.addf %add3A_438, %get3A_477 : vector<16xf32>
      %add3A_479 = arith.constant 16 : i32
      %add3A_480 = arith.addi %squeeze3A_475, %add3A_479 : i32
      %get3A_481 = arith.index_cast %add3A_480 : i32 to index
      %get3A_482 = tpu.vector_load %arg10[%get3A_481] {strides = array<i32>} : memref<64512xf32, #tpu.memory_space<vmem>>, vector<16xf32>,
      %add3A_483 = arith.addf %add3A_443, %get3A_482 : vector<16xf32>
      %add3A_484 = arith.constant 32 : i32
      %add3A_485 = arith.addi %squeeze3A_475, %add3A_484 : i32
      %get3A_486 = arith.index_cast %add3A_485 : i32 to index
      %get3A_487 = tpu.vector_load %arg10[%get3A_486] {strides = array<i32>} : memref<64512xf32, #tpu.memory_space<vmem>>, vector<16xf32>,
      %add3A_488 = arith.addf %add3A_448, %get3A_487 : vector<16xf32>
      %add3A_489 = arith.constant 48 : i32
      %add3A_490 = arith.addi %squeeze3A_475, %add3A_489 : i32
      %get3A_491 = arith.index_cast %add3A_490 : i32 to index
      %get3A_492 = tpu.vector_load %arg10[%get3A_491] {strides = array<i32>} : memref<64512xf32, #tpu.memory_space<vmem>>, vector<16xf32>,
      %add3A_493 = arith.addf %add3A_453, %get3A_492 : vector<16xf32>
      %slice3A_494 = vector.extract_strided_slice %mul3A_233 {offsets = [13], sizes = [1], strides = [1]} : vector<16xi32> to vector<1xi32>
      %squeeze3A_495 = vector.extract %slice3A_494[0] : i32 from vector<1xi32>
      %get3A_496 = arith.index_cast %squeeze3A_495 : i32 to index
      %get3A_497 = tpu.vector_load %arg10[%get3A_496] {strides = array<i32>} : memref<64512xf32, #tpu.memory_space<vmem>>, vector<16xf32>,
      %add3A_498 = arith.addf %add3A_458, %get3A_497 : vector<16xf32>
      %add3A_499 = arith.constant 16 : i32
      %add3A_500 = arith.addi %squeeze3A_495, %add3A_499 : i32
      %get3A_501 = arith.index_cast %add3A_500 : i32 to index
      %get3A_502 = tpu.vector_load %arg10[%get3A_501] {strides = array<i32>} : memref<64512xf32, #tpu.memory_space<vmem>>, vector<16xf32>,
      %add3A_503 = arith.addf %add3A_463, %get3A_502 : vector<16xf32>
      %add3A_504 = arith.constant 32 : i32
      %add3A_505 = arith.addi %squeeze3A_495, %add3A_504 : i32
      %get3A_506 = arith.index_cast %add3A_505 : i32 to index
      %get3A_507 = tpu.vector_load %arg10[%get3A_506] {strides = array<i32>} : memref<64512xf32, #tpu.memory_space<vmem>>, vector<16xf32>,
      %add3A_508 = arith.addf %add3A_468, %get3A_507 : vector<16xf32>
      %add3A_509 = arith.constant 48 : i32
      %add3A_510 = arith.addi %squeeze3A_495, %add3A_509 : i32
      %get3A_511 = arith.index_cast %add3A_510 : i32 to index
      %get3A_512 = tpu.vector_load %arg10[%get3A_511] {strides = array<i32>} : memref<64512xf32, #tpu.memory_space<vmem>>, vector<16xf32>,
      %add3A_513 = arith.addf %add3A_473, %get3A_512 : vector<16xf32>
      %slice3A_514 = vector.extract_strided_slice %mul3A_233 {offsets = [14], sizes = [1], strides = [1]} : vector<16xi32> to vector<1xi32>
      %squeeze3A_515 = vector.extract %slice3A_514[0] : i32 from vector<1xi32>
      %get3A_516 = arith.index_cast %squeeze3A_515 : i32 to index
      %get3A_517 = tpu.vector_load %arg10[%get3A_516] {strides = array<i32>} : memref<64512xf32, #tpu.memory_space<vmem>>, vector<16xf32>,
      %add3A_518 = arith.addf %add3A_478, %get3A_517 : vector<16xf32>
      %add3A_519 = arith.constant 16 : i32
      %add3A_520 = arith.addi %squeeze3A_515, %add3A_519 : i32
      %get3A_521 = arith.index_cast %add3A_520 : i32 to index
      %get3A_522 = tpu.vector_load %arg10[%get3A_521] {strides = array<i32>} : memref<64512xf32, #tpu.memory_space<vmem>>, vector<16xf32>,
      %add3A_523 = arith.addf %add3A_483, %get3A_522 : vector<16xf32>
      %add3A_524 = arith.constant 32 : i32
      %add3A_525 = arith.addi %squeeze3A_515, %add3A_524 : i32
      %get3A_526 = arith.index_cast %add3A_525 : i32 to index
      %get3A_527 = tpu.vector_load %arg10[%get3A_526] {strides = array<i32>} : memref<64512xf32, #tpu.memory_space<vmem>>, vector<16xf32>,
      %add3A_528 = arith.addf %add3A_488, %get3A_527 : vector<16xf32>
      %add3A_529 = arith.constant 48 : i32
      %add3A_530 = arith.addi %squeeze3A_515, %add3A_529 : i32
      %get3A_531 = arith.index_cast %add3A_530 : i32 to index
      %get3A_532 = tpu.vector_load %arg10[%get3A_531] {strides = array<i32>} : memref<64512xf32, #tpu.memory_space<vmem>>, vector<16xf32>,
      %add3A_533 = arith.addf %add3A_493, %get3A_532 : vector<16xf32>
      %slice3A_534 = vector.extract_strided_slice %mul3A_233 {offsets = [15], sizes = [1], strides = [1]} : vector<16xi32> to vector<1xi32>
      %squeeze3A_535 = vector.extract %slice3A_534[0] : i32 from vector<1xi32>
      %get3A_536 = arith.index_cast %squeeze3A_535 : i32 to index
      %get3A_537 = tpu.vector_load %arg10[%get3A_536] {strides = array<i32>} : memref<64512xf32, #tpu.memory_space<vmem>>, vector<16xf32>,
      %add3A_538 = arith.addf %add3A_498, %get3A_537 : vector<16xf32>
      %add3A_539 = arith.constant 16 : i32
      %add3A_540 = arith.addi %squeeze3A_535, %add3A_539 : i32
      %get3A_541 = arith.index_cast %add3A_540 : i32 to index
      %get3A_542 = tpu.vector_load %arg10[%get3A_541] {strides = array<i32>} : memref<64512xf32, #tpu.memory_space<vmem>>, vector<16xf32>,
      %add3A_543 = arith.addf %add3A_503, %get3A_542 : vector<16xf32>
      %add3A_544 = arith.constant 32 : i32
      %add3A_545 = arith.addi %squeeze3A_535, %add3A_544 : i32
      %get3A_546 = arith.index_cast %add3A_545 : i32 to index
      %get3A_547 = tpu.vector_load %arg10[%get3A_546] {strides = array<i32>} : memref<64512xf32, #tpu.memory_space<vmem>>, vector<16xf32>,
      %add3A_548 = arith.addf %add3A_508, %get3A_547 : vector<16xf32>
      %add3A_549 = arith.constant 48 : i32
      %add3A_550 = arith.addi %squeeze3A_535, %add3A_549 : i32
      %get3A_551 = arith.index_cast %add3A_550 : i32 to index
      %get3A_552 = tpu.vector_load %arg10[%get3A_551] {strides = array<i32>} : memref<64512xf32, #tpu.memory_space<vmem>>, vector<16xf32>,
      %add3A_553 = arith.addf %add3A_513, %get3A_552 : vector<16xf32>
      scf.yield %add3A_518, %add3A_523, %add3A_528, %add3A_533, %add3A_538, %add3A_543, %add3A_548, %add3A_553 : vector<16xf32>, vector<16xf32>, vector<16xf32>, vector<16xf32>, vector<16xf32>, vector<16xf32>, vector<16xf32>, vector<16xf32>
    }
    %while3A_45 = arith.constant 1 : i32
    %while3A_46:8 = scf.for %while3A_219 = %while3A_42 to %while3A_38 step %while3A_45 iter_args(%while3A_220 = %while3A_44#0, %while3A_221 = %while3A_44#1, %while3A_222 = %while3A_44#2, %while3A_223 = %while3A_44#3, %while3A_224 = %while3A_44#4, %while3A_225 = %while3A_44#5, %while3A_226 = %while3A_44#6, %while3A_227 = %while3A_44#7) -> (vector<16xf32>, vector<16xf32>, vector<16xf32>, vector<16xf32>, vector<16xf32>, vector<16xf32>, vector<16xf32>, vector<16xf32>)  : i32 {
      %mul3A_228 = arith.constant 16 : i32
      %mul3A_229 = arith.muli %while3A_219, %mul3A_228 : i32
      %get3A = arith.index_cast %mul3A_229 : i32 to index
      %get3A_230 = tpu.vector_load %arg11[%get3A] {strides = array<i32>} : memref<1088xi32, #tpu.memory_space<vmem>>, vector<16xi32>,
      %mul3A_231 = arith.constant 64 : i32
      %mul3A_232 = vector.broadcast %mul3A_231 : i32 to vector<16xi32>
      %mul3A_233 = arith.muli %get3A_230, %mul3A_232 : vector<16xi32>
      %slice3A_234 = vector.extract_strided_slice %mul3A_233 {offsets = [0], sizes = [1], strides = [1]} : vector<16xi32> to vector<1xi32>
      %squeeze3A_235 = vector.extract %slice3A_234[0] : i32 from vector<1xi32>
      %get3A_236 = arith.index_cast %squeeze3A_235 : i32 to index
      %get3A_237 = tpu.vector_load %arg10[%get3A_236] {strides = array<i32>} : memref<64512xf32, #tpu.memory_space<vmem>>, vector<16xf32>,
      %add3A_238 = arith.addf %while3A_220, %get3A_237 : vector<16xf32>
      %add3A_239 = arith.constant 16 : i32
      %add3A_240 = arith.addi %squeeze3A_235, %add3A_239 : i32
      %get3A_241 = arith.index_cast %add3A_240 : i32 to index
      %get3A_242 = tpu.vector_load %arg10[%get3A_241] {strides = array<i32>} : memref<64512xf32, #tpu.memory_space<vmem>>, vector<16xf32>,
      %add3A_243 = arith.addf %while3A_221, %get3A_242 : vector<16xf32>
      %add3A_244 = arith.constant 32 : i32
      %add3A_245 = arith.addi %squeeze3A_235, %add3A_244 : i32
      %get3A_246 = arith.index_cast %add3A_245 : i32 to index
      %get3A_247 = tpu.vector_load %arg10[%get3A_246] {strides = array<i32>} : memref<64512xf32, #tpu.memory_space<vmem>>, vector<16xf32>,
      %add3A_248 = arith.addf %while3A_222, %get3A_247 : vector<16xf32>
      %add3A_249 = arith.constant 48 : i32
      %add3A_250 = arith.addi %squeeze3A_235, %add3A_249 : i32
      %get3A_251 = arith.index_cast %add3A_250 : i32 to index
      %get3A_252 = tpu.vector_load %arg10[%get3A_251] {strides = array<i32>} : memref<64512xf32, #tpu.memory_space<vmem>>, vector<16xf32>,
      %add3A_253 = arith.addf %while3A_223, %get3A_252 : vector<16xf32>
      %slice3A_254 = vector.extract_strided_slice %mul3A_233 {offsets = [1], sizes = [1], strides = [1]} : vector<16xi32> to vector<1xi32>
      %squeeze3A_255 = vector.extract %slice3A_254[0] : i32 from vector<1xi32>
      %get3A_256 = arith.index_cast %squeeze3A_255 : i32 to index
      %get3A_257 = tpu.vector_load %arg10[%get3A_256] {strides = array<i32>} : memref<64512xf32, #tpu.memory_space<vmem>>, vector<16xf32>,
      %add3A_258 = arith.addf %while3A_224, %get3A_257 : vector<16xf32>
      %add3A_259 = arith.constant 16 : i32
      %add3A_260 = arith.addi %squeeze3A_255, %add3A_259 : i32
      %get3A_261 = arith.index_cast %add3A_260 : i32 to index
      %get3A_262 = tpu.vector_load %arg10[%get3A_261] {strides = array<i32>} : memref<64512xf32, #tpu.memory_space<vmem>>, vector<16xf32>,
      %add3A_263 = arith.addf %while3A_225, %get3A_262 : vector<16xf32>
      %add3A_264 = arith.constant 32 : i32
      %add3A_265 = arith.addi %squeeze3A_255, %add3A_264 : i32
      %get3A_266 = arith.index_cast %add3A_265 : i32 to index
      %get3A_267 = tpu.vector_load %arg10[%get3A_266] {strides = array<i32>} : memref<64512xf32, #tpu.memory_space<vmem>>, vector<16xf32>,
      %add3A_268 = arith.addf %while3A_226, %get3A_267 : vector<16xf32>
      %add3A_269 = arith.constant 48 : i32
      %add3A_270 = arith.addi %squeeze3A_255, %add3A_269 : i32
      %get3A_271 = arith.index_cast %add3A_270 : i32 to index
      %get3A_272 = tpu.vector_load %arg10[%get3A_271] {strides = array<i32>} : memref<64512xf32, #tpu.memory_space<vmem>>, vector<16xf32>,
      %add3A_273 = arith.addf %while3A_227, %get3A_272 : vector<16xf32>
      %slice3A_274 = vector.extract_strided_slice %mul3A_233 {offsets = [2], sizes = [1], strides = [1]} : vector<16xi32> to vector<1xi32>
      %squeeze3A_275 = vector.extract %slice3A_274[0] : i32 from vector<1xi32>
      %get3A_276 = arith.index_cast %squeeze3A_275 : i32 to index
      %get3A_277 = tpu.vector_load %arg10[%get3A_276] {strides = array<i32>} : memref<64512xf32, #tpu.memory_space<vmem>>, vector<16xf32>,
      %add3A_278 = arith.addf %add3A_238, %get3A_277 : vector<16xf32>
      %add3A_279 = arith.constant 16 : i32
      %add3A_280 = arith.addi %squeeze3A_275, %add3A_279 : i32
      %get3A_281 = arith.index_cast %add3A_280 : i32 to index
      %get3A_282 = tpu.vector_load %arg10[%get3A_281] {strides = array<i32>} : memref<64512xf32, #tpu.memory_space<vmem>>, vector<16xf32>,
      %add3A_283 = arith.addf %add3A_243, %get3A_282 : vector<16xf32>
      %add3A_284 = arith.constant 32 : i32
      %add3A_285 = arith.addi %squeeze3A_275, %add3A_284 : i32
      %get3A_286 = arith.index_cast %add3A_285 : i32 to index
      %get3A_287 = tpu.vector_load %arg10[%get3A_286] {strides = array<i32>} : memref<64512xf32, #tpu.memory_space<vmem>>, vector<16xf32>,
      %add3A_288 = arith.addf %add3A_248, %get3A_287 : vector<16xf32>
      %add3A_289 = arith.constant 48 : i32
      %add3A_290 = arith.addi %squeeze3A_275, %add3A_289 : i32
      %get3A_291 = arith.index_cast %add3A_290 : i32 to index
      %get3A_292 = tpu.vector_load %arg10[%get3A_291] {strides = array<i32>} : memref<64512xf32, #tpu.memory_space<vmem>>, vector<16xf32>,
      %add3A_293 = arith.addf %add3A_253, %get3A_292 : vector<16xf32>
      %slice3A_294 = vector.extract_strided_slice %mul3A_233 {offsets = [3], sizes = [1], strides = [1]} : vector<16xi32> to vector<1xi32>
      %squeeze3A_295 = vector.extract %slice3A_294[0] : i32 from vector<1xi32>
      %get3A_296 = arith.index_cast %squeeze3A_295 : i32 to index
      %get3A_297 = tpu.vector_load %arg10[%get3A_296] {strides = array<i32>} : memref<64512xf32, #tpu.memory_space<vmem>>, vector<16xf32>,
      %add3A_298 = arith.addf %add3A_258, %get3A_297 : vector<16xf32>
      %add3A_299 = arith.constant 16 : i32
      %add3A_300 = arith.addi %squeeze3A_295, %add3A_299 : i32
      %get3A_301 = arith.index_cast %add3A_300 : i32 to index
      %get3A_302 = tpu.vector_load %arg10[%get3A_301] {strides = array<i32>} : memref<64512xf32, #tpu.memory_space<vmem>>, vector<16xf32>,
      %add3A_303 = arith.addf %add3A_263, %get3A_302 : vector<16xf32>
      %add3A_304 = arith.constant 32 : i32
      %add3A_305 = arith.addi %squeeze3A_295, %add3A_304 : i32
      %get3A_306 = arith.index_cast %add3A_305 : i32 to index
      %get3A_307 = tpu.vector_load %arg10[%get3A_306] {strides = array<i32>} : memref<64512xf32, #tpu.memory_space<vmem>>, vector<16xf32>,
      %add3A_308 = arith.addf %add3A_268, %get3A_307 : vector<16xf32>
      %add3A_309 = arith.constant 48 : i32
      %add3A_310 = arith.addi %squeeze3A_295, %add3A_309 : i32
      %get3A_311 = arith.index_cast %add3A_310 : i32 to index
      %get3A_312 = tpu.vector_load %arg10[%get3A_311] {strides = array<i32>} : memref<64512xf32, #tpu.memory_space<vmem>>, vector<16xf32>,
      %add3A_313 = arith.addf %add3A_273, %get3A_312 : vector<16xf32>
      %slice3A_314 = vector.extract_strided_slice %mul3A_233 {offsets = [4], sizes = [1], strides = [1]} : vector<16xi32> to vector<1xi32>
      %squeeze3A_315 = vector.extract %slice3A_314[0] : i32 from vector<1xi32>
      %get3A_316 = arith.index_cast %squeeze3A_315 : i32 to index
      %get3A_317 = tpu.vector_load %arg10[%get3A_316] {strides = array<i32>} : memref<64512xf32, #tpu.memory_space<vmem>>, vector<16xf32>,
      %add3A_318 = arith.addf %add3A_278, %get3A_317 : vector<16xf32>
      %add3A_319 = arith.constant 16 : i32
      %add3A_320 = arith.addi %squeeze3A_315, %add3A_319 : i32
      %get3A_321 = arith.index_cast %add3A_320 : i32 to index
      %get3A_322 = tpu.vector_load %arg10[%get3A_321] {strides = array<i32>} : memref<64512xf32, #tpu.memory_space<vmem>>, vector<16xf32>,
      %add3A_323 = arith.addf %add3A_283, %get3A_322 : vector<16xf32>
      %add3A_324 = arith.constant 32 : i32
      %add3A_325 = arith.addi %squeeze3A_315, %add3A_324 : i32
      %get3A_326 = arith.index_cast %add3A_325 : i32 to index
      %get3A_327 = tpu.vector_load %arg10[%get3A_326] {strides = array<i32>} : memref<64512xf32, #tpu.memory_space<vmem>>, vector<16xf32>,
      %add3A_328 = arith.addf %add3A_288, %get3A_327 : vector<16xf32>
      %add3A_329 = arith.constant 48 : i32
      %add3A_330 = arith.addi %squeeze3A_315, %add3A_329 : i32
      %get3A_331 = arith.index_cast %add3A_330 : i32 to index
      %get3A_332 = tpu.vector_load %arg10[%get3A_331] {strides = array<i32>} : memref<64512xf32, #tpu.memory_space<vmem>>, vector<16xf32>,
      %add3A_333 = arith.addf %add3A_293, %get3A_332 : vector<16xf32>
      %slice3A_334 = vector.extract_strided_slice %mul3A_233 {offsets = [5], sizes = [1], strides = [1]} : vector<16xi32> to vector<1xi32>
      %squeeze3A_335 = vector.extract %slice3A_334[0] : i32 from vector<1xi32>
      %get3A_336 = arith.index_cast %squeeze3A_335 : i32 to index
      %get3A_337 = tpu.vector_load %arg10[%get3A_336] {strides = array<i32>} : memref<64512xf32, #tpu.memory_space<vmem>>, vector<16xf32>,
      %add3A_338 = arith.addf %add3A_298, %get3A_337 : vector<16xf32>
      %add3A_339 = arith.constant 16 : i32
      %add3A_340 = arith.addi %squeeze3A_335, %add3A_339 : i32
      %get3A_341 = arith.index_cast %add3A_340 : i32 to index
      %get3A_342 = tpu.vector_load %arg10[%get3A_341] {strides = array<i32>} : memref<64512xf32, #tpu.memory_space<vmem>>, vector<16xf32>,
      %add3A_343 = arith.addf %add3A_303, %get3A_342 : vector<16xf32>
      %add3A_344 = arith.constant 32 : i32
      %add3A_345 = arith.addi %squeeze3A_335, %add3A_344 : i32
      %get3A_346 = arith.index_cast %add3A_345 : i32 to index
      %get3A_347 = tpu.vector_load %arg10[%get3A_346] {strides = array<i32>} : memref<64512xf32, #tpu.memory_space<vmem>>, vector<16xf32>,
      %add3A_348 = arith.addf %add3A_308, %get3A_347 : vector<16xf32>
      %add3A_349 = arith.constant 48 : i32
      %add3A_350 = arith.addi %squeeze3A_335, %add3A_349 : i32
      %get3A_351 = arith.index_cast %add3A_350 : i32 to index
      %get3A_352 = tpu.vector_load %arg10[%get3A_351] {strides = array<i32>} : memref<64512xf32, #tpu.memory_space<vmem>>, vector<16xf32>,
      %add3A_353 = arith.addf %add3A_313, %get3A_352 : vector<16xf32>
      %slice3A_354 = vector.extract_strided_slice %mul3A_233 {offsets = [6], sizes = [1], strides = [1]} : vector<16xi32> to vector<1xi32>
      %squeeze3A_355 = vector.extract %slice3A_354[0] : i32 from vector<1xi32>
      %get3A_356 = arith.index_cast %squeeze3A_355 : i32 to index
      %get3A_357 = tpu.vector_load %arg10[%get3A_356] {strides = array<i32>} : memref<64512xf32, #tpu.memory_space<vmem>>, vector<16xf32>,
      %add3A_358 = arith.addf %add3A_318, %get3A_357 : vector<16xf32>
      %add3A_359 = arith.constant 16 : i32
      %add3A_360 = arith.addi %squeeze3A_355, %add3A_359 : i32
      %get3A_361 = arith.index_cast %add3A_360 : i32 to index
      %get3A_362 = tpu.vector_load %arg10[%get3A_361] {strides = array<i32>} : memref<64512xf32, #tpu.memory_space<vmem>>, vector<16xf32>,
      %add3A_363 = arith.addf %add3A_323, %get3A_362 : vector<16xf32>
      %add3A_364 = arith.constant 32 : i32
      %add3A_365 = arith.addi %squeeze3A_355, %add3A_364 : i32
      %get3A_366 = arith.index_cast %add3A_365 : i32 to index
      %get3A_367 = tpu.vector_load %arg10[%get3A_366] {strides = array<i32>} : memref<64512xf32, #tpu.memory_space<vmem>>, vector<16xf32>,
      %add3A_368 = arith.addf %add3A_328, %get3A_367 : vector<16xf32>
      %add3A_369 = arith.constant 48 : i32
      %add3A_370 = arith.addi %squeeze3A_355, %add3A_369 : i32
      %get3A_371 = arith.index_cast %add3A_370 : i32 to index
      %get3A_372 = tpu.vector_load %arg10[%get3A_371] {strides = array<i32>} : memref<64512xf32, #tpu.memory_space<vmem>>, vector<16xf32>,
      %add3A_373 = arith.addf %add3A_333, %get3A_372 : vector<16xf32>
      %slice3A_374 = vector.extract_strided_slice %mul3A_233 {offsets = [7], sizes = [1], strides = [1]} : vector<16xi32> to vector<1xi32>
      %squeeze3A_375 = vector.extract %slice3A_374[0] : i32 from vector<1xi32>
      %get3A_376 = arith.index_cast %squeeze3A_375 : i32 to index
      %get3A_377 = tpu.vector_load %arg10[%get3A_376] {strides = array<i32>} : memref<64512xf32, #tpu.memory_space<vmem>>, vector<16xf32>,
      %add3A_378 = arith.addf %add3A_338, %get3A_377 : vector<16xf32>
      %add3A_379 = arith.constant 16 : i32
      %add3A_380 = arith.addi %squeeze3A_375, %add3A_379 : i32
      %get3A_381 = arith.index_cast %add3A_380 : i32 to index
      %get3A_382 = tpu.vector_load %arg10[%get3A_381] {strides = array<i32>} : memref<64512xf32, #tpu.memory_space<vmem>>, vector<16xf32>,
      %add3A_383 = arith.addf %add3A_343, %get3A_382 : vector<16xf32>
      %add3A_384 = arith.constant 32 : i32
      %add3A_385 = arith.addi %squeeze3A_375, %add3A_384 : i32
      %get3A_386 = arith.index_cast %add3A_385 : i32 to index
      %get3A_387 = tpu.vector_load %arg10[%get3A_386] {strides = array<i32>} : memref<64512xf32, #tpu.memory_space<vmem>>, vector<16xf32>,
      %add3A_388 = arith.addf %add3A_348, %get3A_387 : vector<16xf32>
      %add3A_389 = arith.constant 48 : i32
      %add3A_390 = arith.addi %squeeze3A_375, %add3A_389 : i32
      %get3A_391 = arith.index_cast %add3A_390 : i32 to index
      %get3A_392 = tpu.vector_load %arg10[%get3A_391] {strides = array<i32>} : memref<64512xf32, #tpu.memory_space<vmem>>, vector<16xf32>,
      %add3A_393 = arith.addf %add3A_353, %get3A_392 : vector<16xf32>
      %slice3A_394 = vector.extract_strided_slice %mul3A_233 {offsets = [8], sizes = [1], strides = [1]} : vector<16xi32> to vector<1xi32>
      %squeeze3A_395 = vector.extract %slice3A_394[0] : i32 from vector<1xi32>
      %get3A_396 = arith.index_cast %squeeze3A_395 : i32 to index
      %get3A_397 = tpu.vector_load %arg10[%get3A_396] {strides = array<i32>} : memref<64512xf32, #tpu.memory_space<vmem>>, vector<16xf32>,
      %add3A_398 = arith.addf %add3A_358, %get3A_397 : vector<16xf32>
      %add3A_399 = arith.constant 16 : i32
      %add3A_400 = arith.addi %squeeze3A_395, %add3A_399 : i32
      %get3A_401 = arith.index_cast %add3A_400 : i32 to index
      %get3A_402 = tpu.vector_load %arg10[%get3A_401] {strides = array<i32>} : memref<64512xf32, #tpu.memory_space<vmem>>, vector<16xf32>,
      %add3A_403 = arith.addf %add3A_363, %get3A_402 : vector<16xf32>
      %add3A_404 = arith.constant 32 : i32
      %add3A_405 = arith.addi %squeeze3A_395, %add3A_404 : i32
      %get3A_406 = arith.index_cast %add3A_405 : i32 to index
      %get3A_407 = tpu.vector_load %arg10[%get3A_406] {strides = array<i32>} : memref<64512xf32, #tpu.memory_space<vmem>>, vector<16xf32>,
      %add3A_408 = arith.addf %add3A_368, %get3A_407 : vector<16xf32>
      %add3A_409 = arith.constant 48 : i32
      %add3A_410 = arith.addi %squeeze3A_395, %add3A_409 : i32
      %get3A_411 = arith.index_cast %add3A_410 : i32 to index
      %get3A_412 = tpu.vector_load %arg10[%get3A_411] {strides = array<i32>} : memref<64512xf32, #tpu.memory_space<vmem>>, vector<16xf32>,
      %add3A_413 = arith.addf %add3A_373, %get3A_412 : vector<16xf32>
      %slice3A_414 = vector.extract_strided_slice %mul3A_233 {offsets = [9], sizes = [1], strides = [1]} : vector<16xi32> to vector<1xi32>
      %squeeze3A_415 = vector.extract %slice3A_414[0] : i32 from vector<1xi32>
      %get3A_416 = arith.index_cast %squeeze3A_415 : i32 to index
      %get3A_417 = tpu.vector_load %arg10[%get3A_416] {strides = array<i32>} : memref<64512xf32, #tpu.memory_space<vmem>>, vector<16xf32>,
      %add3A_418 = arith.addf %add3A_378, %get3A_417 : vector<16xf32>
      %add3A_419 = arith.constant 16 : i32
      %add3A_420 = arith.addi %squeeze3A_415, %add3A_419 : i32
      %get3A_421 = arith.index_cast %add3A_420 : i32 to index
      %get3A_422 = tpu.vector_load %arg10[%get3A_421] {strides = array<i32>} : memref<64512xf32, #tpu.memory_space<vmem>>, vector<16xf32>,
      %add3A_423 = arith.addf %add3A_383, %get3A_422 : vector<16xf32>
      %add3A_424 = arith.constant 32 : i32
      %add3A_425 = arith.addi %squeeze3A_415, %add3A_424 : i32
      %get3A_426 = arith.index_cast %add3A_425 : i32 to index
      %get3A_427 = tpu.vector_load %arg10[%get3A_426] {strides = array<i32>} : memref<64512xf32, #tpu.memory_space<vmem>>, vector<16xf32>,
      %add3A_428 = arith.addf %add3A_388, %get3A_427 : vector<16xf32>
      %add3A_429 = arith.constant 48 : i32
      %add3A_430 = arith.addi %squeeze3A_415, %add3A_429 : i32
      %get3A_431 = arith.index_cast %add3A_430 : i32 to index
      %get3A_432 = tpu.vector_load %arg10[%get3A_431] {strides = array<i32>} : memref<64512xf32, #tpu.memory_space<vmem>>, vector<16xf32>,
      %add3A_433 = arith.addf %add3A_393, %get3A_432 : vector<16xf32>
      %slice3A_434 = vector.extract_strided_slice %mul3A_233 {offsets = [10], sizes = [1], strides = [1]} : vector<16xi32> to vector<1xi32>
      %squeeze3A_435 = vector.extract %slice3A_434[0] : i32 from vector<1xi32>
      %get3A_436 = arith.index_cast %squeeze3A_435 : i32 to index
      %get3A_437 = tpu.vector_load %arg10[%get3A_436] {strides = array<i32>} : memref<64512xf32, #tpu.memory_space<vmem>>, vector<16xf32>,
      %add3A_438 = arith.addf %add3A_398, %get3A_437 : vector<16xf32>
      %add3A_439 = arith.constant 16 : i32
      %add3A_440 = arith.addi %squeeze3A_435, %add3A_439 : i32
      %get3A_441 = arith.index_cast %add3A_440 : i32 to index
      %get3A_442 = tpu.vector_load %arg10[%get3A_441] {strides = array<i32>} : memref<64512xf32, #tpu.memory_space<vmem>>, vector<16xf32>,
      %add3A_443 = arith.addf %add3A_403, %get3A_442 : vector<16xf32>
      %add3A_444 = arith.constant 32 : i32
      %add3A_445 = arith.addi %squeeze3A_435, %add3A_444 : i32
      %get3A_446 = arith.index_cast %add3A_445 : i32 to index
      %get3A_447 = tpu.vector_load %arg10[%get3A_446] {strides = array<i32>} : memref<64512xf32, #tpu.memory_space<vmem>>, vector<16xf32>,
      %add3A_448 = arith.addf %add3A_408, %get3A_447 : vector<16xf32>
      %add3A_449 = arith.constant 48 : i32
      %add3A_450 = arith.addi %squeeze3A_435, %add3A_449 : i32
      %get3A_451 = arith.index_cast %add3A_450 : i32 to index
      %get3A_452 = tpu.vector_load %arg10[%get3A_451] {strides = array<i32>} : memref<64512xf32, #tpu.memory_space<vmem>>, vector<16xf32>,
      %add3A_453 = arith.addf %add3A_413, %get3A_452 : vector<16xf32>
      %slice3A_454 = vector.extract_strided_slice %mul3A_233 {offsets = [11], sizes = [1], strides = [1]} : vector<16xi32> to vector<1xi32>
      %squeeze3A_455 = vector.extract %slice3A_454[0] : i32 from vector<1xi32>
      %get3A_456 = arith.index_cast %squeeze3A_455 : i32 to index
      %get3A_457 = tpu.vector_load %arg10[%get3A_456] {strides = array<i32>} : memref<64512xf32, #tpu.memory_space<vmem>>, vector<16xf32>,
      %add3A_458 = arith.addf %add3A_418, %get3A_457 : vector<16xf32>
      %add3A_459 = arith.constant 16 : i32
      %add3A_460 = arith.addi %squeeze3A_455, %add3A_459 : i32
      %get3A_461 = arith.index_cast %add3A_460 : i32 to index
      %get3A_462 = tpu.vector_load %arg10[%get3A_461] {strides = array<i32>} : memref<64512xf32, #tpu.memory_space<vmem>>, vector<16xf32>,
      %add3A_463 = arith.addf %add3A_423, %get3A_462 : vector<16xf32>
      %add3A_464 = arith.constant 32 : i32
      %add3A_465 = arith.addi %squeeze3A_455, %add3A_464 : i32
      %get3A_466 = arith.index_cast %add3A_465 : i32 to index
      %get3A_467 = tpu.vector_load %arg10[%get3A_466] {strides = array<i32>} : memref<64512xf32, #tpu.memory_space<vmem>>, vector<16xf32>,
      %add3A_468 = arith.addf %add3A_428, %get3A_467 : vector<16xf32>
      %add3A_469 = arith.constant 48 : i32
      %add3A_470 = arith.addi %squeeze3A_455, %add3A_469 : i32
      %get3A_471 = arith.index_cast %add3A_470 : i32 to index
      %get3A_472 = tpu.vector_load %arg10[%get3A_471] {strides = array<i32>} : memref<64512xf32, #tpu.memory_space<vmem>>, vector<16xf32>,
      %add3A_473 = arith.addf %add3A_433, %get3A_472 : vector<16xf32>
      %slice3A_474 = vector.extract_strided_slice %mul3A_233 {offsets = [12], sizes = [1], strides = [1]} : vector<16xi32> to vector<1xi32>
      %squeeze3A_475 = vector.extract %slice3A_474[0] : i32 from vector<1xi32>
      %get3A_476 = arith.index_cast %squeeze3A_475 : i32 to index
      %get3A_477 = tpu.vector_load %arg10[%get3A_476] {strides = array<i32>} : memref<64512xf32, #tpu.memory_space<vmem>>, vector<16xf32>,
      %add3A_478 = arith.addf %add3A_438, %get3A_477 : vector<16xf32>
      %add3A_479 = arith.constant 16 : i32
      %add3A_480 = arith.addi %squeeze3A_475, %add3A_479 : i32
      %get3A_481 = arith.index_cast %add3A_480 : i32 to index
      %get3A_482 = tpu.vector_load %arg10[%get3A_481] {strides = array<i32>} : memref<64512xf32, #tpu.memory_space<vmem>>, vector<16xf32>,
      %add3A_483 = arith.addf %add3A_443, %get3A_482 : vector<16xf32>
      %add3A_484 = arith.constant 32 : i32
      %add3A_485 = arith.addi %squeeze3A_475, %add3A_484 : i32
      %get3A_486 = arith.index_cast %add3A_485 : i32 to index
      %get3A_487 = tpu.vector_load %arg10[%get3A_486] {strides = array<i32>} : memref<64512xf32, #tpu.memory_space<vmem>>, vector<16xf32>,
      %add3A_488 = arith.addf %add3A_448, %get3A_487 : vector<16xf32>
      %add3A_489 = arith.constant 48 : i32
      %add3A_490 = arith.addi %squeeze3A_475, %add3A_489 : i32
      %get3A_491 = arith.index_cast %add3A_490 : i32 to index
      %get3A_492 = tpu.vector_load %arg10[%get3A_491] {strides = array<i32>} : memref<64512xf32, #tpu.memory_space<vmem>>, vector<16xf32>,
      %add3A_493 = arith.addf %add3A_453, %get3A_492 : vector<16xf32>
      %slice3A_494 = vector.extract_strided_slice %mul3A_233 {offsets = [13], sizes = [1], strides = [1]} : vector<16xi32> to vector<1xi32>
      %squeeze3A_495 = vector.extract %slice3A_494[0] : i32 from vector<1xi32>
      %get3A_496 = arith.index_cast %squeeze3A_495 : i32 to index
      %get3A_497 = tpu.vector_load %arg10[%get3A_496] {strides = array<i32>} : memref<64512xf32, #tpu.memory_space<vmem>>, vector<16xf32>,
      %add3A_498 = arith.addf %add3A_458, %get3A_497 : vector<16xf32>
      %add3A_499 = arith.constant 16 : i32
      %add3A_500 = arith.addi %squeeze3A_495, %add3A_499 : i32
      %get3A_501 = arith.index_cast %add3A_500 : i32 to index
      %get3A_502 = tpu.vector_load %arg10[%get3A_501] {strides = array<i32>} : memref<64512xf32, #tpu.memory_space<vmem>>, vector<16xf32>,
      %add3A_503 = arith.addf %add3A_463, %get3A_502 : vector<16xf32>
      %add3A_504 = arith.constant 32 : i32
      %add3A_505 = arith.addi %squeeze3A_495, %add3A_504 : i32
      %get3A_506 = arith.index_cast %add3A_505 : i32 to index
      %get3A_507 = tpu.vector_load %arg10[%get3A_506] {strides = array<i32>} : memref<64512xf32, #tpu.memory_space<vmem>>, vector<16xf32>,
      %add3A_508 = arith.addf %add3A_468, %get3A_507 : vector<16xf32>
      %add3A_509 = arith.constant 48 : i32
      %add3A_510 = arith.addi %squeeze3A_495, %add3A_509 : i32
      %get3A_511 = arith.index_cast %add3A_510 : i32 to index
      %get3A_512 = tpu.vector_load %arg10[%get3A_511] {strides = array<i32>} : memref<64512xf32, #tpu.memory_space<vmem>>, vector<16xf32>,
      %add3A_513 = arith.addf %add3A_473, %get3A_512 : vector<16xf32>
      %slice3A_514 = vector.extract_strided_slice %mul3A_233 {offsets = [14], sizes = [1], strides = [1]} : vector<16xi32> to vector<1xi32>
      %squeeze3A_515 = vector.extract %slice3A_514[0] : i32 from vector<1xi32>
      %get3A_516 = arith.index_cast %squeeze3A_515 : i32 to index
      %get3A_517 = tpu.vector_load %arg10[%get3A_516] {strides = array<i32>} : memref<64512xf32, #tpu.memory_space<vmem>>, vector<16xf32>,
      %add3A_518 = arith.addf %add3A_478, %get3A_517 : vector<16xf32>
      %add3A_519 = arith.constant 16 : i32
      %add3A_520 = arith.addi %squeeze3A_515, %add3A_519 : i32
      %get3A_521 = arith.index_cast %add3A_520 : i32 to index
      %get3A_522 = tpu.vector_load %arg10[%get3A_521] {strides = array<i32>} : memref<64512xf32, #tpu.memory_space<vmem>>, vector<16xf32>,
      %add3A_523 = arith.addf %add3A_483, %get3A_522 : vector<16xf32>
      %add3A_524 = arith.constant 32 : i32
      %add3A_525 = arith.addi %squeeze3A_515, %add3A_524 : i32
      %get3A_526 = arith.index_cast %add3A_525 : i32 to index
      %get3A_527 = tpu.vector_load %arg10[%get3A_526] {strides = array<i32>} : memref<64512xf32, #tpu.memory_space<vmem>>, vector<16xf32>,
      %add3A_528 = arith.addf %add3A_488, %get3A_527 : vector<16xf32>
      %add3A_529 = arith.constant 48 : i32
      %add3A_530 = arith.addi %squeeze3A_515, %add3A_529 : i32
      %get3A_531 = arith.index_cast %add3A_530 : i32 to index
      %get3A_532 = tpu.vector_load %arg10[%get3A_531] {strides = array<i32>} : memref<64512xf32, #tpu.memory_space<vmem>>, vector<16xf32>,
      %add3A_533 = arith.addf %add3A_493, %get3A_532 : vector<16xf32>
      %slice3A_534 = vector.extract_strided_slice %mul3A_233 {offsets = [15], sizes = [1], strides = [1]} : vector<16xi32> to vector<1xi32>
      %squeeze3A_535 = vector.extract %slice3A_534[0] : i32 from vector<1xi32>
      %get3A_536 = arith.index_cast %squeeze3A_535 : i32 to index
      %get3A_537 = tpu.vector_load %arg10[%get3A_536] {strides = array<i32>} : memref<64512xf32, #tpu.memory_space<vmem>>, vector<16xf32>,
      %add3A_538 = arith.addf %add3A_498, %get3A_537 : vector<16xf32>
      %add3A_539 = arith.constant 16 : i32
      %add3A_540 = arith.addi %squeeze3A_535, %add3A_539 : i32
      %get3A_541 = arith.index_cast %add3A_540 : i32 to index
      %get3A_542 = tpu.vector_load %arg10[%get3A_541] {strides = array<i32>} : memref<64512xf32, #tpu.memory_space<vmem>>, vector<16xf32>,
      %add3A_543 = arith.addf %add3A_503, %get3A_542 : vector<16xf32>
      %add3A_544 = arith.constant 32 : i32
      %add3A_545 = arith.addi %squeeze3A_535, %add3A_544 : i32
      %get3A_546 = arith.index_cast %add3A_545 : i32 to index
      %get3A_547 = tpu.vector_load %arg10[%get3A_546] {strides = array<i32>} : memref<64512xf32, #tpu.memory_space<vmem>>, vector<16xf32>,
      %add3A_548 = arith.addf %add3A_508, %get3A_547 : vector<16xf32>
      %add3A_549 = arith.constant 48 : i32
      %add3A_550 = arith.addi %squeeze3A_535, %add3A_549 : i32
      %get3A_551 = arith.index_cast %add3A_550 : i32 to index
      %get3A_552 = tpu.vector_load %arg10[%get3A_551] {strides = array<i32>} : memref<64512xf32, #tpu.memory_space<vmem>>, vector<16xf32>,
      %add3A_553 = arith.addf %add3A_513, %get3A_552 : vector<16xf32>
      scf.yield %add3A_518, %add3A_523, %add3A_528, %add3A_533, %add3A_538, %add3A_543, %add3A_548, %add3A_553 : vector<16xf32>, vector<16xf32>, vector<16xf32>, vector<16xf32>, vector<16xf32>, vector<16xf32>, vector<16xf32>, vector<16xf32>
    }
    %scan3A_47 = arith.constant 0 : i32
    %scan3A_48 = arith.constant 7 : i32
    %scan3A_49 = arith.addi %scan3A_47, %scan3A_48 : i32
    %scan3A_50 = arith.constant 1 : i32
    %scan3A_51:8 = scf.for %scan3A_219 = %scan3A_47 to %scan3A_49 step %scan3A_50 iter_args(%scan3A_220 = %while3A_46#0, %scan3A_221 = %while3A_46#1, %scan3A_222 = %while3A_46#2, %scan3A_223 = %while3A_46#3, %scan3A_224 = %while3A_46#4, %scan3A_225 = %while3A_46#5, %scan3A_226 = %while3A_46#6, %scan3A_227 = %while3A_46#7) -> (vector<16xf32>, vector<16xf32>, vector<16xf32>, vector<16xf32>, vector<16xf32>, vector<16xf32>, vector<16xf32>, vector<16xf32>)  : i32 {
      %mul3A_228 = arith.constant 112 : i32
      %mul3A_229 = arith.muli %scan3A, %mul3A_228 : i32
      %mul3A_230 = arith.constant 16 : i32
      %mul3A_231 = arith.muli %scan3A_219, %mul3A_230 : i32
      %add3A_232 = arith.addi %mul3A_229, %mul3A_231 : i32
      %get3A = arith.index_cast %add3A_232 : i32 to index
      %get3A_233 = tpu.vector_load %arg8[%get3A] {strides = array<i32>} : memref<112xf32, #tpu.memory_space<vmem>>, vector<16xf32>,
      %broadcast_in_dim3A_234 = arith.constant 0 : i32
      %broadcast_in_dim3A_235 = vector.broadcast %broadcast_in_dim3A_234 : i32 to vector<16xi32>
      %lt3A_236 = arith.constant 0 : i32
      %lt3A_237 = vector.broadcast %lt3A_236 : i32 to vector<16xi32>
      %lt3A_238 = arith.cmpi slt, %broadcast_in_dim3A_235, %lt3A_237 : vector<16xi32>
      %add3A_239 = arith.constant 16 : i32
      %add3A_240 = vector.broadcast %add3A_239 : i32 to vector<16xi32>
      %add3A_241 = arith.addi %broadcast_in_dim3A_235, %add3A_240 : vector<16xi32>
      %select_n3A_242 = arith.select %lt3A_238, %add3A_241, %broadcast_in_dim3A_235 : vector<16xi1>, vector<16xi32>
      %broadcast_in_dim3A_243 = vector.shape_cast %select_n3A_242 : vector<16xi32> to vector<16x1xi32>
      %gather3A_244 = vector.shape_cast %broadcast_in_dim3A_243 : vector<16x1xi32> to vector<16xi32>
      %gather3A_245 = tpu.dynamic_gather %get3A_233[%gather3A_244] in [0] : vector<16xf32>, vector<16xi32> -> vector<16xf32>
      %mul3A_246 = arith.constant 16 : i32
      %mul3A_247 = arith.muli %scan3A_219, %mul3A_246 : i32
      %add3A_248 = arith.constant 0 : i32
      %add3A_249 = arith.addi %mul3A_247, %add3A_248 : i32
      %mul3A_250 = arith.constant 64 : i32
      %mul3A_251 = arith.muli %add3A_249, %mul3A_250 : i32
      %get3A_252 = arith.index_cast %mul3A_251 : i32 to index
      %get3A_253 = tpu.vector_load %arg9[%get3A_252] {strides = array<i32>} : memref<7168xf32, #tpu.memory_space<vmem>>, vector<16xf32>,
      %mul3A_254 = arith.mulf %gather3A_245, %get3A_253 : vector<16xf32>
      %add3A_255 = arith.addf %scan3A_220, %mul3A_254 : vector<16xf32>
      %mul3A_256 = arith.constant 64 : i32
      %mul3A_257 = arith.muli %add3A_249, %mul3A_256 : i32
      %add3A_258 = arith.constant 16 : i32
      %add3A_259 = arith.addi %mul3A_257, %add3A_258 : i32
      %get3A_260 = arith.index_cast %add3A_259 : i32 to index
      %get3A_261 = tpu.vector_load %arg9[%get3A_260] {strides = array<i32>} : memref<7168xf32, #tpu.memory_space<vmem>>, vector<16xf32>,
      %mul3A_262 = arith.mulf %gather3A_245, %get3A_261 : vector<16xf32>
      %add3A_263 = arith.addf %scan3A_221, %mul3A_262 : vector<16xf32>
      %mul3A_264 = arith.constant 64 : i32
      %mul3A_265 = arith.muli %add3A_249, %mul3A_264 : i32
      %add3A_266 = arith.constant 32 : i32
      %add3A_267 = arith.addi %mul3A_265, %add3A_266 : i32
      %get3A_268 = arith.index_cast %add3A_267 : i32 to index
      %get3A_269 = tpu.vector_load %arg9[%get3A_268] {strides = array<i32>} : memref<7168xf32, #tpu.memory_space<vmem>>, vector<16xf32>,
      %mul3A_270 = arith.mulf %gather3A_245, %get3A_269 : vector<16xf32>
      %add3A_271 = arith.addf %scan3A_222, %mul3A_270 : vector<16xf32>
      %mul3A_272 = arith.constant 64 : i32
      %mul3A_273 = arith.muli %add3A_249, %mul3A_272 : i32
      %add3A_274 = arith.constant 48 : i32
      %add3A_275 = arith.addi %mul3A_273, %add3A_274 : i32
      %get3A_276 = arith.index_cast %add3A_275 : i32 to index
      %get3A_277 = tpu.vector_load %arg9[%get3A_276] {strides = array<i32>} : memref<7168xf32, #tpu.memory_space<vmem>>, vector<16xf32>,
      %mul3A_278 = arith.mulf %gather3A_245, %get3A_277 : vector<16xf32>
      %add3A_279 = arith.addf %scan3A_223, %mul3A_278 : vector<16xf32>
      %broadcast_in_dim3A_280 = arith.constant 1 : i32
      %broadcast_in_dim3A_281 = vector.broadcast %broadcast_in_dim3A_280 : i32 to vector<16xi32>
      %lt3A_282 = arith.constant 0 : i32
      %lt3A_283 = vector.broadcast %lt3A_282 : i32 to vector<16xi32>
      %lt3A_284 = arith.cmpi slt, %broadcast_in_dim3A_281, %lt3A_283 : vector<16xi32>
      %add3A_285 = arith.constant 16 : i32
      %add3A_286 = vector.broadcast %add3A_285 : i32 to vector<16xi32>
      %add3A_287 = arith.addi %broadcast_in_dim3A_281, %add3A_286 : vector<16xi32>
      %select_n3A_288 = arith.select %lt3A_284, %add3A_287, %broadcast_in_dim3A_281 : vector<16xi1>, vector<16xi32>
      %broadcast_in_dim3A_289 = vector.shape_cast %select_n3A_288 : vector<16xi32> to vector<16x1xi32>
      %gather3A_290 = vector.shape_cast %broadcast_in_dim3A_289 : vector<16x1xi32> to vector<16xi32>
      %gather3A_291 = tpu.dynamic_gather %get3A_233[%gather3A_290] in [0] : vector<16xf32>, vector<16xi32> -> vector<16xf32>
      %mul3A_292 = arith.constant 16 : i32
      %mul3A_293 = arith.muli %scan3A_219, %mul3A_292 : i32
      %add3A_294 = arith.constant 1 : i32
      %add3A_295 = arith.addi %mul3A_293, %add3A_294 : i32
      %mul3A_296 = arith.constant 64 : i32
      %mul3A_297 = arith.muli %add3A_295, %mul3A_296 : i32
      %get3A_298 = arith.index_cast %mul3A_297 : i32 to index
      %get3A_299 = tpu.vector_load %arg9[%get3A_298] {strides = array<i32>} : memref<7168xf32, #tpu.memory_space<vmem>>, vector<16xf32>,
      %mul3A_300 = arith.mulf %gather3A_291, %get3A_299 : vector<16xf32>
      %add3A_301 = arith.addf %scan3A_224, %mul3A_300 : vector<16xf32>
      %mul3A_302 = arith.constant 64 : i32
      %mul3A_303 = arith.muli %add3A_295, %mul3A_302 : i32
      %add3A_304 = arith.constant 16 : i32
      %add3A_305 = arith.addi %mul3A_303, %add3A_304 : i32
      %get3A_306 = arith.index_cast %add3A_305 : i32 to index
      %get3A_307 = tpu.vector_load %arg9[%get3A_306] {strides = array<i32>} : memref<7168xf32, #tpu.memory_space<vmem>>, vector<16xf32>,
      %mul3A_308 = arith.mulf %gather3A_291, %get3A_307 : vector<16xf32>
      %add3A_309 = arith.addf %scan3A_225, %mul3A_308 : vector<16xf32>
      %mul3A_310 = arith.constant 64 : i32
      %mul3A_311 = arith.muli %add3A_295, %mul3A_310 : i32
      %add3A_312 = arith.constant 32 : i32
      %add3A_313 = arith.addi %mul3A_311, %add3A_312 : i32
      %get3A_314 = arith.index_cast %add3A_313 : i32 to index
      %get3A_315 = tpu.vector_load %arg9[%get3A_314] {strides = array<i32>} : memref<7168xf32, #tpu.memory_space<vmem>>, vector<16xf32>,
      %mul3A_316 = arith.mulf %gather3A_291, %get3A_315 : vector<16xf32>
      %add3A_317 = arith.addf %scan3A_226, %mul3A_316 : vector<16xf32>
      %mul3A_318 = arith.constant 64 : i32
      %mul3A_319 = arith.muli %add3A_295, %mul3A_318 : i32
      %add3A_320 = arith.constant 48 : i32
      %add3A_321 = arith.addi %mul3A_319, %add3A_320 : i32
      %get3A_322 = arith.index_cast %add3A_321 : i32 to index
      %get3A_323 = tpu.vector_load %arg9[%get3A_322] {strides = array<i32>} : memref<7168xf32, #tpu.memory_space<vmem>>, vector<16xf32>,
      %mul3A_324 = arith.mulf %gather3A_291, %get3A_323 : vector<16xf32>
      %add3A_325 = arith.addf %scan3A_227, %mul3A_324 : vector<16xf32>
      %broadcast_in_dim3A_326 = arith.constant 2 : i32
      %broadcast_in_dim3A_327 = vector.broadcast %broadcast_in_dim3A_326 : i32 to vector<16xi32>
      %lt3A_328 = arith.constant 0 : i32
      %lt3A_329 = vector.broadcast %lt3A_328 : i32 to vector<16xi32>
      %lt3A_330 = arith.cmpi slt, %broadcast_in_dim3A_327, %lt3A_329 : vector<16xi32>
      %add3A_331 = arith.constant 16 : i32
      %add3A_332 = vector.broadcast %add3A_331 : i32 to vector<16xi32>
      %add3A_333 = arith.addi %broadcast_in_dim3A_327, %add3A_332 : vector<16xi32>
      %select_n3A_334 = arith.select %lt3A_330, %add3A_333, %broadcast_in_dim3A_327 : vector<16xi1>, vector<16xi32>
      %broadcast_in_dim3A_335 = vector.shape_cast %select_n3A_334 : vector<16xi32> to vector<16x1xi32>
      %gather3A_336 = vector.shape_cast %broadcast_in_dim3A_335 : vector<16x1xi32> to vector<16xi32>
      %gather3A_337 = tpu.dynamic_gather %get3A_233[%gather3A_336] in [0] : vector<16xf32>, vector<16xi32> -> vector<16xf32>
      %mul3A_338 = arith.constant 16 : i32
      %mul3A_339 = arith.muli %scan3A_219, %mul3A_338 : i32
      %add3A_340 = arith.constant 2 : i32
      %add3A_341 = arith.addi %mul3A_339, %add3A_340 : i32
      %mul3A_342 = arith.constant 64 : i32
      %mul3A_343 = arith.muli %add3A_341, %mul3A_342 : i32
      %get3A_344 = arith.index_cast %mul3A_343 : i32 to index
      %get3A_345 = tpu.vector_load %arg9[%get3A_344] {strides = array<i32>} : memref<7168xf32, #tpu.memory_space<vmem>>, vector<16xf32>,
      %mul3A_346 = arith.mulf %gather3A_337, %get3A_345 : vector<16xf32>
      %add3A_347 = arith.addf %add3A_255, %mul3A_346 : vector<16xf32>
      %mul3A_348 = arith.constant 64 : i32
      %mul3A_349 = arith.muli %add3A_341, %mul3A_348 : i32
      %add3A_350 = arith.constant 16 : i32
      %add3A_351 = arith.addi %mul3A_349, %add3A_350 : i32
      %get3A_352 = arith.index_cast %add3A_351 : i32 to index
      %get3A_353 = tpu.vector_load %arg9[%get3A_352] {strides = array<i32>} : memref<7168xf32, #tpu.memory_space<vmem>>, vector<16xf32>,
      %mul3A_354 = arith.mulf %gather3A_337, %get3A_353 : vector<16xf32>
      %add3A_355 = arith.addf %add3A_263, %mul3A_354 : vector<16xf32>
      %mul3A_356 = arith.constant 64 : i32
      %mul3A_357 = arith.muli %add3A_341, %mul3A_356 : i32
      %add3A_358 = arith.constant 32 : i32
      %add3A_359 = arith.addi %mul3A_357, %add3A_358 : i32
      %get3A_360 = arith.index_cast %add3A_359 : i32 to index
      %get3A_361 = tpu.vector_load %arg9[%get3A_360] {strides = array<i32>} : memref<7168xf32, #tpu.memory_space<vmem>>, vector<16xf32>,
      %mul3A_362 = arith.mulf %gather3A_337, %get3A_361 : vector<16xf32>
      %add3A_363 = arith.addf %add3A_271, %mul3A_362 : vector<16xf32>
      %mul3A_364 = arith.constant 64 : i32
      %mul3A_365 = arith.muli %add3A_341, %mul3A_364 : i32
      %add3A_366 = arith.constant 48 : i32
      %add3A_367 = arith.addi %mul3A_365, %add3A_366 : i32
      %get3A_368 = arith.index_cast %add3A_367 : i32 to index
      %get3A_369 = tpu.vector_load %arg9[%get3A_368] {strides = array<i32>} : memref<7168xf32, #tpu.memory_space<vmem>>, vector<16xf32>,
      %mul3A_370 = arith.mulf %gather3A_337, %get3A_369 : vector<16xf32>
      %add3A_371 = arith.addf %add3A_279, %mul3A_370 : vector<16xf32>
      %broadcast_in_dim3A_372 = arith.constant 3 : i32
      %broadcast_in_dim3A_373 = vector.broadcast %broadcast_in_dim3A_372 : i32 to vector<16xi32>
      %lt3A_374 = arith.constant 0 : i32
      %lt3A_375 = vector.broadcast %lt3A_374 : i32 to vector<16xi32>
      %lt3A_376 = arith.cmpi slt, %broadcast_in_dim3A_373, %lt3A_375 : vector<16xi32>
      %add3A_377 = arith.constant 16 : i32
      %add3A_378 = vector.broadcast %add3A_377 : i32 to vector<16xi32>
      %add3A_379 = arith.addi %broadcast_in_dim3A_373, %add3A_378 : vector<16xi32>
      %select_n3A_380 = arith.select %lt3A_376, %add3A_379, %broadcast_in_dim3A_373 : vector<16xi1>, vector<16xi32>
      %broadcast_in_dim3A_381 = vector.shape_cast %select_n3A_380 : vector<16xi32> to vector<16x1xi32>
      %gather3A_382 = vector.shape_cast %broadcast_in_dim3A_381 : vector<16x1xi32> to vector<16xi32>
      %gather3A_383 = tpu.dynamic_gather %get3A_233[%gather3A_382] in [0] : vector<16xf32>, vector<16xi32> -> vector<16xf32>
      %mul3A_384 = arith.constant 16 : i32
      %mul3A_385 = arith.muli %scan3A_219, %mul3A_384 : i32
      %add3A_386 = arith.constant 3 : i32
      %add3A_387 = arith.addi %mul3A_385, %add3A_386 : i32
      %mul3A_388 = arith.constant 64 : i32
      %mul3A_389 = arith.muli %add3A_387, %mul3A_388 : i32
      %get3A_390 = arith.index_cast %mul3A_389 : i32 to index
      %get3A_391 = tpu.vector_load %arg9[%get3A_390] {strides = array<i32>} : memref<7168xf32, #tpu.memory_space<vmem>>, vector<16xf32>,
      %mul3A_392 = arith.mulf %gather3A_383, %get3A_391 : vector<16xf32>
      %add3A_393 = arith.addf %add3A_301, %mul3A_392 : vector<16xf32>
      %mul3A_394 = arith.constant 64 : i32
      %mul3A_395 = arith.muli %add3A_387, %mul3A_394 : i32
      %add3A_396 = arith.constant 16 : i32
      %add3A_397 = arith.addi %mul3A_395, %add3A_396 : i32
      %get3A_398 = arith.index_cast %add3A_397 : i32 to index
      %get3A_399 = tpu.vector_load %arg9[%get3A_398] {strides = array<i32>} : memref<7168xf32, #tpu.memory_space<vmem>>, vector<16xf32>,
      %mul3A_400 = arith.mulf %gather3A_383, %get3A_399 : vector<16xf32>
      %add3A_401 = arith.addf %add3A_309, %mul3A_400 : vector<16xf32>
      %mul3A_402 = arith.constant 64 : i32
      %mul3A_403 = arith.muli %add3A_387, %mul3A_402 : i32
      %add3A_404 = arith.constant 32 : i32
      %add3A_405 = arith.addi %mul3A_403, %add3A_404 : i32
      %get3A_406 = arith.index_cast %add3A_405 : i32 to index
      %get3A_407 = tpu.vector_load %arg9[%get3A_406] {strides = array<i32>} : memref<7168xf32, #tpu.memory_space<vmem>>, vector<16xf32>,
      %mul3A_408 = arith.mulf %gather3A_383, %get3A_407 : vector<16xf32>
      %add3A_409 = arith.addf %add3A_317, %mul3A_408 : vector<16xf32>
      %mul3A_410 = arith.constant 64 : i32
      %mul3A_411 = arith.muli %add3A_387, %mul3A_410 : i32
      %add3A_412 = arith.constant 48 : i32
      %add3A_413 = arith.addi %mul3A_411, %add3A_412 : i32
      %get3A_414 = arith.index_cast %add3A_413 : i32 to index
      %get3A_415 = tpu.vector_load %arg9[%get3A_414] {strides = array<i32>} : memref<7168xf32, #tpu.memory_space<vmem>>, vector<16xf32>,
      %mul3A_416 = arith.mulf %gather3A_383, %get3A_415 : vector<16xf32>
      %add3A_417 = arith.addf %add3A_325, %mul3A_416 : vector<16xf32>
      %broadcast_in_dim3A_418 = arith.constant 4 : i32
      %broadcast_in_dim3A_419 = vector.broadcast %broadcast_in_dim3A_418 : i32 to vector<16xi32>
      %lt3A_420 = arith.constant 0 : i32
      %lt3A_421 = vector.broadcast %lt3A_420 : i32 to vector<16xi32>
      %lt3A_422 = arith.cmpi slt, %broadcast_in_dim3A_419, %lt3A_421 : vector<16xi32>
      %add3A_423 = arith.constant 16 : i32
      %add3A_424 = vector.broadcast %add3A_423 : i32 to vector<16xi32>
      %add3A_425 = arith.addi %broadcast_in_dim3A_419, %add3A_424 : vector<16xi32>
      %select_n3A_426 = arith.select %lt3A_422, %add3A_425, %broadcast_in_dim3A_419 : vector<16xi1>, vector<16xi32>
      %broadcast_in_dim3A_427 = vector.shape_cast %select_n3A_426 : vector<16xi32> to vector<16x1xi32>
      %gather3A_428 = vector.shape_cast %broadcast_in_dim3A_427 : vector<16x1xi32> to vector<16xi32>
      %gather3A_429 = tpu.dynamic_gather %get3A_233[%gather3A_428] in [0] : vector<16xf32>, vector<16xi32> -> vector<16xf32>
      %mul3A_430 = arith.constant 16 : i32
      %mul3A_431 = arith.muli %scan3A_219, %mul3A_430 : i32
      %add3A_432 = arith.constant 4 : i32
      %add3A_433 = arith.addi %mul3A_431, %add3A_432 : i32
      %mul3A_434 = arith.constant 64 : i32
      %mul3A_435 = arith.muli %add3A_433, %mul3A_434 : i32
      %get3A_436 = arith.index_cast %mul3A_435 : i32 to index
      %get3A_437 = tpu.vector_load %arg9[%get3A_436] {strides = array<i32>} : memref<7168xf32, #tpu.memory_space<vmem>>, vector<16xf32>,
      %mul3A_438 = arith.mulf %gather3A_429, %get3A_437 : vector<16xf32>
      %add3A_439 = arith.addf %add3A_347, %mul3A_438 : vector<16xf32>
      %mul3A_440 = arith.constant 64 : i32
      %mul3A_441 = arith.muli %add3A_433, %mul3A_440 : i32
      %add3A_442 = arith.constant 16 : i32
      %add3A_443 = arith.addi %mul3A_441, %add3A_442 : i32
      %get3A_444 = arith.index_cast %add3A_443 : i32 to index
      %get3A_445 = tpu.vector_load %arg9[%get3A_444] {strides = array<i32>} : memref<7168xf32, #tpu.memory_space<vmem>>, vector<16xf32>,
      %mul3A_446 = arith.mulf %gather3A_429, %get3A_445 : vector<16xf32>
      %add3A_447 = arith.addf %add3A_355, %mul3A_446 : vector<16xf32>
      %mul3A_448 = arith.constant 64 : i32
      %mul3A_449 = arith.muli %add3A_433, %mul3A_448 : i32
      %add3A_450 = arith.constant 32 : i32
      %add3A_451 = arith.addi %mul3A_449, %add3A_450 : i32
      %get3A_452 = arith.index_cast %add3A_451 : i32 to index
      %get3A_453 = tpu.vector_load %arg9[%get3A_452] {strides = array<i32>} : memref<7168xf32, #tpu.memory_space<vmem>>, vector<16xf32>,
      %mul3A_454 = arith.mulf %gather3A_429, %get3A_453 : vector<16xf32>
      %add3A_455 = arith.addf %add3A_363, %mul3A_454 : vector<16xf32>
      %mul3A_456 = arith.constant 64 : i32
      %mul3A_457 = arith.muli %add3A_433, %mul3A_456 : i32
      %add3A_458 = arith.constant 48 : i32
      %add3A_459 = arith.addi %mul3A_457, %add3A_458 : i32
      %get3A_460 = arith.index_cast %add3A_459 : i32 to index
      %get3A_461 = tpu.vector_load %arg9[%get3A_460] {strides = array<i32>} : memref<7168xf32, #tpu.memory_space<vmem>>, vector<16xf32>,
      %mul3A_462 = arith.mulf %gather3A_429, %get3A_461 : vector<16xf32>
      %add3A_463 = arith.addf %add3A_371, %mul3A_462 : vector<16xf32>
      %broadcast_in_dim3A_464 = arith.constant 5 : i32
      %broadcast_in_dim3A_465 = vector.broadcast %broadcast_in_dim3A_464 : i32 to vector<16xi32>
      %lt3A_466 = arith.constant 0 : i32
      %lt3A_467 = vector.broadcast %lt3A_466 : i32 to vector<16xi32>
      %lt3A_468 = arith.cmpi slt, %broadcast_in_dim3A_465, %lt3A_467 : vector<16xi32>
      %add3A_469 = arith.constant 16 : i32
      %add3A_470 = vector.broadcast %add3A_469 : i32 to vector<16xi32>
      %add3A_471 = arith.addi %broadcast_in_dim3A_465, %add3A_470 : vector<16xi32>
      %select_n3A_472 = arith.select %lt3A_468, %add3A_471, %broadcast_in_dim3A_465 : vector<16xi1>, vector<16xi32>
      %broadcast_in_dim3A_473 = vector.shape_cast %select_n3A_472 : vector<16xi32> to vector<16x1xi32>
      %gather3A_474 = vector.shape_cast %broadcast_in_dim3A_473 : vector<16x1xi32> to vector<16xi32>
      %gather3A_475 = tpu.dynamic_gather %get3A_233[%gather3A_474] in [0] : vector<16xf32>, vector<16xi32> -> vector<16xf32>
      %mul3A_476 = arith.constant 16 : i32
      %mul3A_477 = arith.muli %scan3A_219, %mul3A_476 : i32
      %add3A_478 = arith.constant 5 : i32
      %add3A_479 = arith.addi %mul3A_477, %add3A_478 : i32
      %mul3A_480 = arith.constant 64 : i32
      %mul3A_481 = arith.muli %add3A_479, %mul3A_480 : i32
      %get3A_482 = arith.index_cast %mul3A_481 : i32 to index
      %get3A_483 = tpu.vector_load %arg9[%get3A_482] {strides = array<i32>} : memref<7168xf32, #tpu.memory_space<vmem>>, vector<16xf32>,
      %mul3A_484 = arith.mulf %gather3A_475, %get3A_483 : vector<16xf32>
      %add3A_485 = arith.addf %add3A_393, %mul3A_484 : vector<16xf32>
      %mul3A_486 = arith.constant 64 : i32
      %mul3A_487 = arith.muli %add3A_479, %mul3A_486 : i32
      %add3A_488 = arith.constant 16 : i32
      %add3A_489 = arith.addi %mul3A_487, %add3A_488 : i32
      %get3A_490 = arith.index_cast %add3A_489 : i32 to index
      %get3A_491 = tpu.vector_load %arg9[%get3A_490] {strides = array<i32>} : memref<7168xf32, #tpu.memory_space<vmem>>, vector<16xf32>,
      %mul3A_492 = arith.mulf %gather3A_475, %get3A_491 : vector<16xf32>
      %add3A_493 = arith.addf %add3A_401, %mul3A_492 : vector<16xf32>
      %mul3A_494 = arith.constant 64 : i32
      %mul3A_495 = arith.muli %add3A_479, %mul3A_494 : i32
      %add3A_496 = arith.constant 32 : i32
      %add3A_497 = arith.addi %mul3A_495, %add3A_496 : i32
      %get3A_498 = arith.index_cast %add3A_497 : i32 to index
      %get3A_499 = tpu.vector_load %arg9[%get3A_498] {strides = array<i32>} : memref<7168xf32, #tpu.memory_space<vmem>>, vector<16xf32>,
      %mul3A_500 = arith.mulf %gather3A_475, %get3A_499 : vector<16xf32>
      %add3A_501 = arith.addf %add3A_409, %mul3A_500 : vector<16xf32>
      %mul3A_502 = arith.constant 64 : i32
      %mul3A_503 = arith.muli %add3A_479, %mul3A_502 : i32
      %add3A_504 = arith.constant 48 : i32
      %add3A_505 = arith.addi %mul3A_503, %add3A_504 : i32
      %get3A_506 = arith.index_cast %add3A_505 : i32 to index
      %get3A_507 = tpu.vector_load %arg9[%get3A_506] {strides = array<i32>} : memref<7168xf32, #tpu.memory_space<vmem>>, vector<16xf32>,
      %mul3A_508 = arith.mulf %gather3A_475, %get3A_507 : vector<16xf32>
      %add3A_509 = arith.addf %add3A_417, %mul3A_508 : vector<16xf32>
      %broadcast_in_dim3A_510 = arith.constant 6 : i32
      %broadcast_in_dim3A_511 = vector.broadcast %broadcast_in_dim3A_510 : i32 to vector<16xi32>
      %lt3A_512 = arith.constant 0 : i32
      %lt3A_513 = vector.broadcast %lt3A_512 : i32 to vector<16xi32>
      %lt3A_514 = arith.cmpi slt, %broadcast_in_dim3A_511, %lt3A_513 : vector<16xi32>
      %add3A_515 = arith.constant 16 : i32
      %add3A_516 = vector.broadcast %add3A_515 : i32 to vector<16xi32>
      %add3A_517 = arith.addi %broadcast_in_dim3A_511, %add3A_516 : vector<16xi32>
      %select_n3A_518 = arith.select %lt3A_514, %add3A_517, %broadcast_in_dim3A_511 : vector<16xi1>, vector<16xi32>
      %broadcast_in_dim3A_519 = vector.shape_cast %select_n3A_518 : vector<16xi32> to vector<16x1xi32>
      %gather3A_520 = vector.shape_cast %broadcast_in_dim3A_519 : vector<16x1xi32> to vector<16xi32>
      %gather3A_521 = tpu.dynamic_gather %get3A_233[%gather3A_520] in [0] : vector<16xf32>, vector<16xi32> -> vector<16xf32>
      %mul3A_522 = arith.constant 16 : i32
      %mul3A_523 = arith.muli %scan3A_219, %mul3A_522 : i32
      %add3A_524 = arith.constant 6 : i32
      %add3A_525 = arith.addi %mul3A_523, %add3A_524 : i32
      %mul3A_526 = arith.constant 64 : i32
      %mul3A_527 = arith.muli %add3A_525, %mul3A_526 : i32
      %get3A_528 = arith.index_cast %mul3A_527 : i32 to index
      %get3A_529 = tpu.vector_load %arg9[%get3A_528] {strides = array<i32>} : memref<7168xf32, #tpu.memory_space<vmem>>, vector<16xf32>,
      %mul3A_530 = arith.mulf %gather3A_521, %get3A_529 : vector<16xf32>
      %add3A_531 = arith.addf %add3A_439, %mul3A_530 : vector<16xf32>
      %mul3A_532 = arith.constant 64 : i32
      %mul3A_533 = arith.muli %add3A_525, %mul3A_532 : i32
      %add3A_534 = arith.constant 16 : i32
      %add3A_535 = arith.addi %mul3A_533, %add3A_534 : i32
      %get3A_536 = arith.index_cast %add3A_535 : i32 to index
      %get3A_537 = tpu.vector_load %arg9[%get3A_536] {strides = array<i32>} : memref<7168xf32, #tpu.memory_space<vmem>>, vector<16xf32>,
      %mul3A_538 = arith.mulf %gather3A_521, %get3A_537 : vector<16xf32>
      %add3A_539 = arith.addf %add3A_447, %mul3A_538 : vector<16xf32>
      %mul3A_540 = arith.constant 64 : i32
      %mul3A_541 = arith.muli %add3A_525, %mul3A_540 : i32
      %add3A_542 = arith.constant 32 : i32
      %add3A_543 = arith.addi %mul3A_541, %add3A_542 : i32
      %get3A_544 = arith.index_cast %add3A_543 : i32 to index
      %get3A_545 = tpu.vector_load %arg9[%get3A_544] {strides = array<i32>} : memref<7168xf32, #tpu.memory_space<vmem>>, vector<16xf32>,
      %mul3A_546 = arith.mulf %gather3A_521, %get3A_545 : vector<16xf32>
      %add3A_547 = arith.addf %add3A_455, %mul3A_546 : vector<16xf32>
      %mul3A_548 = arith.constant 64 : i32
      %mul3A_549 = arith.muli %add3A_525, %mul3A_548 : i32
      %add3A_550 = arith.constant 48 : i32
      %add3A_551 = arith.addi %mul3A_549, %add3A_550 : i32
      %get3A_552 = arith.index_cast %add3A_551 : i32 to index
      %get3A_553 = tpu.vector_load %arg9[%get3A_552] {strides = array<i32>} : memref<7168xf32, #tpu.memory_space<vmem>>, vector<16xf32>,
      %mul3A_554 = arith.mulf %gather3A_521, %get3A_553 : vector<16xf32>
      %add3A_555 = arith.addf %add3A_463, %mul3A_554 : vector<16xf32>
      %broadcast_in_dim3A_556 = arith.constant 7 : i32
      %broadcast_in_dim3A_557 = vector.broadcast %broadcast_in_dim3A_556 : i32 to vector<16xi32>
      %lt3A_558 = arith.constant 0 : i32
      %lt3A_559 = vector.broadcast %lt3A_558 : i32 to vector<16xi32>
      %lt3A_560 = arith.cmpi slt, %broadcast_in_dim3A_557, %lt3A_559 : vector<16xi32>
      %add3A_561 = arith.constant 16 : i32
      %add3A_562 = vector.broadcast %add3A_561 : i32 to vector<16xi32>
      %add3A_563 = arith.addi %broadcast_in_dim3A_557, %add3A_562 : vector<16xi32>
      %select_n3A_564 = arith.select %lt3A_560, %add3A_563, %broadcast_in_dim3A_557 : vector<16xi1>, vector<16xi32>
      %broadcast_in_dim3A_565 = vector.shape_cast %select_n3A_564 : vector<16xi32> to vector<16x1xi32>
      %gather3A_566 = vector.shape_cast %broadcast_in_dim3A_565 : vector<16x1xi32> to vector<16xi32>
      %gather3A_567 = tpu.dynamic_gather %get3A_233[%gather3A_566] in [0] : vector<16xf32>, vector<16xi32> -> vector<16xf32>
      %mul3A_568 = arith.constant 16 : i32
      %mul3A_569 = arith.muli %scan3A_219, %mul3A_568 : i32
      %add3A_570 = arith.constant 7 : i32
      %add3A_571 = arith.addi %mul3A_569, %add3A_570 : i32
      %mul3A_572 = arith.constant 64 : i32
      %mul3A_573 = arith.muli %add3A_571, %mul3A_572 : i32
      %get3A_574 = arith.index_cast %mul3A_573 : i32 to index
      %get3A_575 = tpu.vector_load %arg9[%get3A_574] {strides = array<i32>} : memref<7168xf32, #tpu.memory_space<vmem>>, vector<16xf32>,
      %mul3A_576 = arith.mulf %gather3A_567, %get3A_575 : vector<16xf32>
      %add3A_577 = arith.addf %add3A_485, %mul3A_576 : vector<16xf32>
      %mul3A_578 = arith.constant 64 : i32
      %mul3A_579 = arith.muli %add3A_571, %mul3A_578 : i32
      %add3A_580 = arith.constant 16 : i32
      %add3A_581 = arith.addi %mul3A_579, %add3A_580 : i32
      %get3A_582 = arith.index_cast %add3A_581 : i32 to index
      %get3A_583 = tpu.vector_load %arg9[%get3A_582] {strides = array<i32>} : memref<7168xf32, #tpu.memory_space<vmem>>, vector<16xf32>,
      %mul3A_584 = arith.mulf %gather3A_567, %get3A_583 : vector<16xf32>
      %add3A_585 = arith.addf %add3A_493, %mul3A_584 : vector<16xf32>
      %mul3A_586 = arith.constant 64 : i32
      %mul3A_587 = arith.muli %add3A_571, %mul3A_586 : i32
      %add3A_588 = arith.constant 32 : i32
      %add3A_589 = arith.addi %mul3A_587, %add3A_588 : i32
      %get3A_590 = arith.index_cast %add3A_589 : i32 to index
      %get3A_591 = tpu.vector_load %arg9[%get3A_590] {strides = array<i32>} : memref<7168xf32, #tpu.memory_space<vmem>>, vector<16xf32>,
      %mul3A_592 = arith.mulf %gather3A_567, %get3A_591 : vector<16xf32>
      %add3A_593 = arith.addf %add3A_501, %mul3A_592 : vector<16xf32>
      %mul3A_594 = arith.constant 64 : i32
      %mul3A_595 = arith.muli %add3A_571, %mul3A_594 : i32
      %add3A_596 = arith.constant 48 : i32
      %add3A_597 = arith.addi %mul3A_595, %add3A_596 : i32
      %get3A_598 = arith.index_cast %add3A_597 : i32 to index
      %get3A_599 = tpu.vector_load %arg9[%get3A_598] {strides = array<i32>} : memref<7168xf32, #tpu.memory_space<vmem>>, vector<16xf32>,
      %mul3A_600 = arith.mulf %gather3A_567, %get3A_599 : vector<16xf32>
      %add3A_601 = arith.addf %add3A_509, %mul3A_600 : vector<16xf32>
      %broadcast_in_dim3A_602 = arith.constant 8 : i32
      %broadcast_in_dim3A_603 = vector.broadcast %broadcast_in_dim3A_602 : i32 to vector<16xi32>
      %lt3A_604 = arith.constant 0 : i32
      %lt3A_605 = vector.broadcast %lt3A_604 : i32 to vector<16xi32>
      %lt3A_606 = arith.cmpi slt, %broadcast_in_dim3A_603, %lt3A_605 : vector<16xi32>
      %add3A_607 = arith.constant 16 : i32
      %add3A_608 = vector.broadcast %add3A_607 : i32 to vector<16xi32>
      %add3A_609 = arith.addi %broadcast_in_dim3A_603, %add3A_608 : vector<16xi32>
      %select_n3A_610 = arith.select %lt3A_606, %add3A_609, %broadcast_in_dim3A_603 : vector<16xi1>, vector<16xi32>
      %broadcast_in_dim3A_611 = vector.shape_cast %select_n3A_610 : vector<16xi32> to vector<16x1xi32>
      %gather3A_612 = vector.shape_cast %broadcast_in_dim3A_611 : vector<16x1xi32> to vector<16xi32>
      %gather3A_613 = tpu.dynamic_gather %get3A_233[%gather3A_612] in [0] : vector<16xf32>, vector<16xi32> -> vector<16xf32>
      %mul3A_614 = arith.constant 16 : i32
      %mul3A_615 = arith.muli %scan3A_219, %mul3A_614 : i32
      %add3A_616 = arith.constant 8 : i32
      %add3A_617 = arith.addi %mul3A_615, %add3A_616 : i32
      %mul3A_618 = arith.constant 64 : i32
      %mul3A_619 = arith.muli %add3A_617, %mul3A_618 : i32
      %get3A_620 = arith.index_cast %mul3A_619 : i32 to index
      %get3A_621 = tpu.vector_load %arg9[%get3A_620] {strides = array<i32>} : memref<7168xf32, #tpu.memory_space<vmem>>, vector<16xf32>,
      %mul3A_622 = arith.mulf %gather3A_613, %get3A_621 : vector<16xf32>
      %add3A_623 = arith.addf %add3A_531, %mul3A_622 : vector<16xf32>
      %mul3A_624 = arith.constant 64 : i32
      %mul3A_625 = arith.muli %add3A_617, %mul3A_624 : i32
      %add3A_626 = arith.constant 16 : i32
      %add3A_627 = arith.addi %mul3A_625, %add3A_626 : i32
      %get3A_628 = arith.index_cast %add3A_627 : i32 to index
      %get3A_629 = tpu.vector_load %arg9[%get3A_628] {strides = array<i32>} : memref<7168xf32, #tpu.memory_space<vmem>>, vector<16xf32>,
      %mul3A_630 = arith.mulf %gather3A_613, %get3A_629 : vector<16xf32>
      %add3A_631 = arith.addf %add3A_539, %mul3A_630 : vector<16xf32>
      %mul3A_632 = arith.constant 64 : i32
      %mul3A_633 = arith.muli %add3A_617, %mul3A_632 : i32
      %add3A_634 = arith.constant 32 : i32
      %add3A_635 = arith.addi %mul3A_633, %add3A_634 : i32
      %get3A_636 = arith.index_cast %add3A_635 : i32 to index
      %get3A_637 = tpu.vector_load %arg9[%get3A_636] {strides = array<i32>} : memref<7168xf32, #tpu.memory_space<vmem>>, vector<16xf32>,
      %mul3A_638 = arith.mulf %gather3A_613, %get3A_637 : vector<16xf32>
      %add3A_639 = arith.addf %add3A_547, %mul3A_638 : vector<16xf32>
      %mul3A_640 = arith.constant 64 : i32
      %mul3A_641 = arith.muli %add3A_617, %mul3A_640 : i32
      %add3A_642 = arith.constant 48 : i32
      %add3A_643 = arith.addi %mul3A_641, %add3A_642 : i32
      %get3A_644 = arith.index_cast %add3A_643 : i32 to index
      %get3A_645 = tpu.vector_load %arg9[%get3A_644] {strides = array<i32>} : memref<7168xf32, #tpu.memory_space<vmem>>, vector<16xf32>,
      %mul3A_646 = arith.mulf %gather3A_613, %get3A_645 : vector<16xf32>
      %add3A_647 = arith.addf %add3A_555, %mul3A_646 : vector<16xf32>
      %broadcast_in_dim3A_648 = arith.constant 9 : i32
      %broadcast_in_dim3A_649 = vector.broadcast %broadcast_in_dim3A_648 : i32 to vector<16xi32>
      %lt3A_650 = arith.constant 0 : i32
      %lt3A_651 = vector.broadcast %lt3A_650 : i32 to vector<16xi32>
      %lt3A_652 = arith.cmpi slt, %broadcast_in_dim3A_649, %lt3A_651 : vector<16xi32>
      %add3A_653 = arith.constant 16 : i32
      %add3A_654 = vector.broadcast %add3A_653 : i32 to vector<16xi32>
      %add3A_655 = arith.addi %broadcast_in_dim3A_649, %add3A_654 : vector<16xi32>
      %select_n3A_656 = arith.select %lt3A_652, %add3A_655, %broadcast_in_dim3A_649 : vector<16xi1>, vector<16xi32>
      %broadcast_in_dim3A_657 = vector.shape_cast %select_n3A_656 : vector<16xi32> to vector<16x1xi32>
      %gather3A_658 = vector.shape_cast %broadcast_in_dim3A_657 : vector<16x1xi32> to vector<16xi32>
      %gather3A_659 = tpu.dynamic_gather %get3A_233[%gather3A_658] in [0] : vector<16xf32>, vector<16xi32> -> vector<16xf32>
      %mul3A_660 = arith.constant 16 : i32
      %mul3A_661 = arith.muli %scan3A_219, %mul3A_660 : i32
      %add3A_662 = arith.constant 9 : i32
      %add3A_663 = arith.addi %mul3A_661, %add3A_662 : i32
      %mul3A_664 = arith.constant 64 : i32
      %mul3A_665 = arith.muli %add3A_663, %mul3A_664 : i32
      %get3A_666 = arith.index_cast %mul3A_665 : i32 to index
      %get3A_667 = tpu.vector_load %arg9[%get3A_666] {strides = array<i32>} : memref<7168xf32, #tpu.memory_space<vmem>>, vector<16xf32>,
      %mul3A_668 = arith.mulf %gather3A_659, %get3A_667 : vector<16xf32>
      %add3A_669 = arith.addf %add3A_577, %mul3A_668 : vector<16xf32>
      %mul3A_670 = arith.constant 64 : i32
      %mul3A_671 = arith.muli %add3A_663, %mul3A_670 : i32
      %add3A_672 = arith.constant 16 : i32
      %add3A_673 = arith.addi %mul3A_671, %add3A_672 : i32
      %get3A_674 = arith.index_cast %add3A_673 : i32 to index
      %get3A_675 = tpu.vector_load %arg9[%get3A_674] {strides = array<i32>} : memref<7168xf32, #tpu.memory_space<vmem>>, vector<16xf32>,
      %mul3A_676 = arith.mulf %gather3A_659, %get3A_675 : vector<16xf32>
      %add3A_677 = arith.addf %add3A_585, %mul3A_676 : vector<16xf32>
      %mul3A_678 = arith.constant 64 : i32
      %mul3A_679 = arith.muli %add3A_663, %mul3A_678 : i32
      %add3A_680 = arith.constant 32 : i32
      %add3A_681 = arith.addi %mul3A_679, %add3A_680 : i32
      %get3A_682 = arith.index_cast %add3A_681 : i32 to index
      %get3A_683 = tpu.vector_load %arg9[%get3A_682] {strides = array<i32>} : memref<7168xf32, #tpu.memory_space<vmem>>, vector<16xf32>,
      %mul3A_684 = arith.mulf %gather3A_659, %get3A_683 : vector<16xf32>
      %add3A_685 = arith.addf %add3A_593, %mul3A_684 : vector<16xf32>
      %mul3A_686 = arith.constant 64 : i32
      %mul3A_687 = arith.muli %add3A_663, %mul3A_686 : i32
      %add3A_688 = arith.constant 48 : i32
      %add3A_689 = arith.addi %mul3A_687, %add3A_688 : i32
      %get3A_690 = arith.index_cast %add3A_689 : i32 to index
      %get3A_691 = tpu.vector_load %arg9[%get3A_690] {strides = array<i32>} : memref<7168xf32, #tpu.memory_space<vmem>>, vector<16xf32>,
      %mul3A_692 = arith.mulf %gather3A_659, %get3A_691 : vector<16xf32>
      %add3A_693 = arith.addf %add3A_601, %mul3A_692 : vector<16xf32>
      %broadcast_in_dim3A_694 = arith.constant 10 : i32
      %broadcast_in_dim3A_695 = vector.broadcast %broadcast_in_dim3A_694 : i32 to vector<16xi32>
      %lt3A_696 = arith.constant 0 : i32
      %lt3A_697 = vector.broadcast %lt3A_696 : i32 to vector<16xi32>
      %lt3A_698 = arith.cmpi slt, %broadcast_in_dim3A_695, %lt3A_697 : vector<16xi32>
      %add3A_699 = arith.constant 16 : i32
      %add3A_700 = vector.broadcast %add3A_699 : i32 to vector<16xi32>
      %add3A_701 = arith.addi %broadcast_in_dim3A_695, %add3A_700 : vector<16xi32>
      %select_n3A_702 = arith.select %lt3A_698, %add3A_701, %broadcast_in_dim3A_695 : vector<16xi1>, vector<16xi32>
      %broadcast_in_dim3A_703 = vector.shape_cast %select_n3A_702 : vector<16xi32> to vector<16x1xi32>
      %gather3A_704 = vector.shape_cast %broadcast_in_dim3A_703 : vector<16x1xi32> to vector<16xi32>
      %gather3A_705 = tpu.dynamic_gather %get3A_233[%gather3A_704] in [0] : vector<16xf32>, vector<16xi32> -> vector<16xf32>
      %mul3A_706 = arith.constant 16 : i32
      %mul3A_707 = arith.muli %scan3A_219, %mul3A_706 : i32
      %add3A_708 = arith.constant 10 : i32
      %add3A_709 = arith.addi %mul3A_707, %add3A_708 : i32
      %mul3A_710 = arith.constant 64 : i32
      %mul3A_711 = arith.muli %add3A_709, %mul3A_710 : i32
      %get3A_712 = arith.index_cast %mul3A_711 : i32 to index
      %get3A_713 = tpu.vector_load %arg9[%get3A_712] {strides = array<i32>} : memref<7168xf32, #tpu.memory_space<vmem>>, vector<16xf32>,
      %mul3A_714 = arith.mulf %gather3A_705, %get3A_713 : vector<16xf32>
      %add3A_715 = arith.addf %add3A_623, %mul3A_714 : vector<16xf32>
      %mul3A_716 = arith.constant 64 : i32
      %mul3A_717 = arith.muli %add3A_709, %mul3A_716 : i32
      %add3A_718 = arith.constant 16 : i32
      %add3A_719 = arith.addi %mul3A_717, %add3A_718 : i32
      %get3A_720 = arith.index_cast %add3A_719 : i32 to index
      %get3A_721 = tpu.vector_load %arg9[%get3A_720] {strides = array<i32>} : memref<7168xf32, #tpu.memory_space<vmem>>, vector<16xf32>,
      %mul3A_722 = arith.mulf %gather3A_705, %get3A_721 : vector<16xf32>
      %add3A_723 = arith.addf %add3A_631, %mul3A_722 : vector<16xf32>
      %mul3A_724 = arith.constant 64 : i32
      %mul3A_725 = arith.muli %add3A_709, %mul3A_724 : i32
      %add3A_726 = arith.constant 32 : i32
      %add3A_727 = arith.addi %mul3A_725, %add3A_726 : i32
      %get3A_728 = arith.index_cast %add3A_727 : i32 to index
      %get3A_729 = tpu.vector_load %arg9[%get3A_728] {strides = array<i32>} : memref<7168xf32, #tpu.memory_space<vmem>>, vector<16xf32>,
      %mul3A_730 = arith.mulf %gather3A_705, %get3A_729 : vector<16xf32>
      %add3A_731 = arith.addf %add3A_639, %mul3A_730 : vector<16xf32>
      %mul3A_732 = arith.constant 64 : i32
      %mul3A_733 = arith.muli %add3A_709, %mul3A_732 : i32
      %add3A_734 = arith.constant 48 : i32
      %add3A_735 = arith.addi %mul3A_733, %add3A_734 : i32
      %get3A_736 = arith.index_cast %add3A_735 : i32 to index
      %get3A_737 = tpu.vector_load %arg9[%get3A_736] {strides = array<i32>} : memref<7168xf32, #tpu.memory_space<vmem>>, vector<16xf32>,
      %mul3A_738 = arith.mulf %gather3A_705, %get3A_737 : vector<16xf32>
      %add3A_739 = arith.addf %add3A_647, %mul3A_738 : vector<16xf32>
      %broadcast_in_dim3A_740 = arith.constant 11 : i32
      %broadcast_in_dim3A_741 = vector.broadcast %broadcast_in_dim3A_740 : i32 to vector<16xi32>
      %lt3A_742 = arith.constant 0 : i32
      %lt3A_743 = vector.broadcast %lt3A_742 : i32 to vector<16xi32>
      %lt3A_744 = arith.cmpi slt, %broadcast_in_dim3A_741, %lt3A_743 : vector<16xi32>
      %add3A_745 = arith.constant 16 : i32
      %add3A_746 = vector.broadcast %add3A_745 : i32 to vector<16xi32>
      %add3A_747 = arith.addi %broadcast_in_dim3A_741, %add3A_746 : vector<16xi32>
      %select_n3A_748 = arith.select %lt3A_744, %add3A_747, %broadcast_in_dim3A_741 : vector<16xi1>, vector<16xi32>
      %broadcast_in_dim3A_749 = vector.shape_cast %select_n3A_748 : vector<16xi32> to vector<16x1xi32>
      %gather3A_750 = vector.shape_cast %broadcast_in_dim3A_749 : vector<16x1xi32> to vector<16xi32>
      %gather3A_751 = tpu.dynamic_gather %get3A_233[%gather3A_750] in [0] : vector<16xf32>, vector<16xi32> -> vector<16xf32>
      %mul3A_752 = arith.constant 16 : i32
      %mul3A_753 = arith.muli %scan3A_219, %mul3A_752 : i32
      %add3A_754 = arith.constant 11 : i32
      %add3A_755 = arith.addi %mul3A_753, %add3A_754 : i32
      %mul3A_756 = arith.constant 64 : i32
      %mul3A_757 = arith.muli %add3A_755, %mul3A_756 : i32
      %get3A_758 = arith.index_cast %mul3A_757 : i32 to index
      %get3A_759 = tpu.vector_load %arg9[%get3A_758] {strides = array<i32>} : memref<7168xf32, #tpu.memory_space<vmem>>, vector<16xf32>,
      %mul3A_760 = arith.mulf %gather3A_751, %get3A_759 : vector<16xf32>
      %add3A_761 = arith.addf %add3A_669, %mul3A_760 : vector<16xf32>
      %mul3A_762 = arith.constant 64 : i32
      %mul3A_763 = arith.muli %add3A_755, %mul3A_762 : i32
      %add3A_764 = arith.constant 16 : i32
      %add3A_765 = arith.addi %mul3A_763, %add3A_764 : i32
      %get3A_766 = arith.index_cast %add3A_765 : i32 to index
      %get3A_767 = tpu.vector_load %arg9[%get3A_766] {strides = array<i32>} : memref<7168xf32, #tpu.memory_space<vmem>>, vector<16xf32>,
      %mul3A_768 = arith.mulf %gather3A_751, %get3A_767 : vector<16xf32>
      %add3A_769 = arith.addf %add3A_677, %mul3A_768 : vector<16xf32>
      %mul3A_770 = arith.constant 64 : i32
      %mul3A_771 = arith.muli %add3A_755, %mul3A_770 : i32
      %add3A_772 = arith.constant 32 : i32
      %add3A_773 = arith.addi %mul3A_771, %add3A_772 : i32
      %get3A_774 = arith.index_cast %add3A_773 : i32 to index
      %get3A_775 = tpu.vector_load %arg9[%get3A_774] {strides = array<i32>} : memref<7168xf32, #tpu.memory_space<vmem>>, vector<16xf32>,
      %mul3A_776 = arith.mulf %gather3A_751, %get3A_775 : vector<16xf32>
      %add3A_777 = arith.addf %add3A_685, %mul3A_776 : vector<16xf32>
      %mul3A_778 = arith.constant 64 : i32
      %mul3A_779 = arith.muli %add3A_755, %mul3A_778 : i32
      %add3A_780 = arith.constant 48 : i32
      %add3A_781 = arith.addi %mul3A_779, %add3A_780 : i32
      %get3A_782 = arith.index_cast %add3A_781 : i32 to index
      %get3A_783 = tpu.vector_load %arg9[%get3A_782] {strides = array<i32>} : memref<7168xf32, #tpu.memory_space<vmem>>, vector<16xf32>,
      %mul3A_784 = arith.mulf %gather3A_751, %get3A_783 : vector<16xf32>
      %add3A_785 = arith.addf %add3A_693, %mul3A_784 : vector<16xf32>
      %broadcast_in_dim3A_786 = arith.constant 12 : i32
      %broadcast_in_dim3A_787 = vector.broadcast %broadcast_in_dim3A_786 : i32 to vector<16xi32>
      %lt3A_788 = arith.constant 0 : i32
      %lt3A_789 = vector.broadcast %lt3A_788 : i32 to vector<16xi32>
      %lt3A_790 = arith.cmpi slt, %broadcast_in_dim3A_787, %lt3A_789 : vector<16xi32>
      %add3A_791 = arith.constant 16 : i32
      %add3A_792 = vector.broadcast %add3A_791 : i32 to vector<16xi32>
      %add3A_793 = arith.addi %broadcast_in_dim3A_787, %add3A_792 : vector<16xi32>
      %select_n3A_794 = arith.select %lt3A_790, %add3A_793, %broadcast_in_dim3A_787 : vector<16xi1>, vector<16xi32>
      %broadcast_in_dim3A_795 = vector.shape_cast %select_n3A_794 : vector<16xi32> to vector<16x1xi32>
      %gather3A_796 = vector.shape_cast %broadcast_in_dim3A_795 : vector<16x1xi32> to vector<16xi32>
      %gather3A_797 = tpu.dynamic_gather %get3A_233[%gather3A_796] in [0] : vector<16xf32>, vector<16xi32> -> vector<16xf32>
      %mul3A_798 = arith.constant 16 : i32
      %mul3A_799 = arith.muli %scan3A_219, %mul3A_798 : i32
      %add3A_800 = arith.constant 12 : i32
      %add3A_801 = arith.addi %mul3A_799, %add3A_800 : i32
      %mul3A_802 = arith.constant 64 : i32
      %mul3A_803 = arith.muli %add3A_801, %mul3A_802 : i32
      %get3A_804 = arith.index_cast %mul3A_803 : i32 to index
      %get3A_805 = tpu.vector_load %arg9[%get3A_804] {strides = array<i32>} : memref<7168xf32, #tpu.memory_space<vmem>>, vector<16xf32>,
      %mul3A_806 = arith.mulf %gather3A_797, %get3A_805 : vector<16xf32>
      %add3A_807 = arith.addf %add3A_715, %mul3A_806 : vector<16xf32>
      %mul3A_808 = arith.constant 64 : i32
      %mul3A_809 = arith.muli %add3A_801, %mul3A_808 : i32
      %add3A_810 = arith.constant 16 : i32
      %add3A_811 = arith.addi %mul3A_809, %add3A_810 : i32
      %get3A_812 = arith.index_cast %add3A_811 : i32 to index
      %get3A_813 = tpu.vector_load %arg9[%get3A_812] {strides = array<i32>} : memref<7168xf32, #tpu.memory_space<vmem>>, vector<16xf32>,
      %mul3A_814 = arith.mulf %gather3A_797, %get3A_813 : vector<16xf32>
      %add3A_815 = arith.addf %add3A_723, %mul3A_814 : vector<16xf32>
      %mul3A_816 = arith.constant 64 : i32
      %mul3A_817 = arith.muli %add3A_801, %mul3A_816 : i32
      %add3A_818 = arith.constant 32 : i32
      %add3A_819 = arith.addi %mul3A_817, %add3A_818 : i32
      %get3A_820 = arith.index_cast %add3A_819 : i32 to index
      %get3A_821 = tpu.vector_load %arg9[%get3A_820] {strides = array<i32>} : memref<7168xf32, #tpu.memory_space<vmem>>, vector<16xf32>,
      %mul3A_822 = arith.mulf %gather3A_797, %get3A_821 : vector<16xf32>
      %add3A_823 = arith.addf %add3A_731, %mul3A_822 : vector<16xf32>
      %mul3A_824 = arith.constant 64 : i32
      %mul3A_825 = arith.muli %add3A_801, %mul3A_824 : i32
      %add3A_826 = arith.constant 48 : i32
      %add3A_827 = arith.addi %mul3A_825, %add3A_826 : i32
      %get3A_828 = arith.index_cast %add3A_827 : i32 to index
      %get3A_829 = tpu.vector_load %arg9[%get3A_828] {strides = array<i32>} : memref<7168xf32, #tpu.memory_space<vmem>>, vector<16xf32>,
      %mul3A_830 = arith.mulf %gather3A_797, %get3A_829 : vector<16xf32>
      %add3A_831 = arith.addf %add3A_739, %mul3A_830 : vector<16xf32>
      %broadcast_in_dim3A_832 = arith.constant 13 : i32
      %broadcast_in_dim3A_833 = vector.broadcast %broadcast_in_dim3A_832 : i32 to vector<16xi32>
      %lt3A_834 = arith.constant 0 : i32
      %lt3A_835 = vector.broadcast %lt3A_834 : i32 to vector<16xi32>
      %lt3A_836 = arith.cmpi slt, %broadcast_in_dim3A_833, %lt3A_835 : vector<16xi32>
      %add3A_837 = arith.constant 16 : i32
      %add3A_838 = vector.broadcast %add3A_837 : i32 to vector<16xi32>
      %add3A_839 = arith.addi %broadcast_in_dim3A_833, %add3A_838 : vector<16xi32>
      %select_n3A_840 = arith.select %lt3A_836, %add3A_839, %broadcast_in_dim3A_833 : vector<16xi1>, vector<16xi32>
      %broadcast_in_dim3A_841 = vector.shape_cast %select_n3A_840 : vector<16xi32> to vector<16x1xi32>
      %gather3A_842 = vector.shape_cast %broadcast_in_dim3A_841 : vector<16x1xi32> to vector<16xi32>
      %gather3A_843 = tpu.dynamic_gather %get3A_233[%gather3A_842] in [0] : vector<16xf32>, vector<16xi32> -> vector<16xf32>
      %mul3A_844 = arith.constant 16 : i32
      %mul3A_845 = arith.muli %scan3A_219, %mul3A_844 : i32
      %add3A_846 = arith.constant 13 : i32
      %add3A_847 = arith.addi %mul3A_845, %add3A_846 : i32
      %mul3A_848 = arith.constant 64 : i32
      %mul3A_849 = arith.muli %add3A_847, %mul3A_848 : i32
      %get3A_850 = arith.index_cast %mul3A_849 : i32 to index
      %get3A_851 = tpu.vector_load %arg9[%get3A_850] {strides = array<i32>} : memref<7168xf32, #tpu.memory_space<vmem>>, vector<16xf32>,
      %mul3A_852 = arith.mulf %gather3A_843, %get3A_851 : vector<16xf32>
      %add3A_853 = arith.addf %add3A_761, %mul3A_852 : vector<16xf32>
      %mul3A_854 = arith.constant 64 : i32
      %mul3A_855 = arith.muli %add3A_847, %mul3A_854 : i32
      %add3A_856 = arith.constant 16 : i32
      %add3A_857 = arith.addi %mul3A_855, %add3A_856 : i32
      %get3A_858 = arith.index_cast %add3A_857 : i32 to index
      %get3A_859 = tpu.vector_load %arg9[%get3A_858] {strides = array<i32>} : memref<7168xf32, #tpu.memory_space<vmem>>, vector<16xf32>,
      %mul3A_860 = arith.mulf %gather3A_843, %get3A_859 : vector<16xf32>
      %add3A_861 = arith.addf %add3A_769, %mul3A_860 : vector<16xf32>
      %mul3A_862 = arith.constant 64 : i32
      %mul3A_863 = arith.muli %add3A_847, %mul3A_862 : i32
      %add3A_864 = arith.constant 32 : i32
      %add3A_865 = arith.addi %mul3A_863, %add3A_864 : i32
      %get3A_866 = arith.index_cast %add3A_865 : i32 to index
      %get3A_867 = tpu.vector_load %arg9[%get3A_866] {strides = array<i32>} : memref<7168xf32, #tpu.memory_space<vmem>>, vector<16xf32>,
      %mul3A_868 = arith.mulf %gather3A_843, %get3A_867 : vector<16xf32>
      %add3A_869 = arith.addf %add3A_777, %mul3A_868 : vector<16xf32>
      %mul3A_870 = arith.constant 64 : i32
      %mul3A_871 = arith.muli %add3A_847, %mul3A_870 : i32
      %add3A_872 = arith.constant 48 : i32
      %add3A_873 = arith.addi %mul3A_871, %add3A_872 : i32
      %get3A_874 = arith.index_cast %add3A_873 : i32 to index
      %get3A_875 = tpu.vector_load %arg9[%get3A_874] {strides = array<i32>} : memref<7168xf32, #tpu.memory_space<vmem>>, vector<16xf32>,
      %mul3A_876 = arith.mulf %gather3A_843, %get3A_875 : vector<16xf32>
      %add3A_877 = arith.addf %add3A_785, %mul3A_876 : vector<16xf32>
      %broadcast_in_dim3A_878 = arith.constant 14 : i32
      %broadcast_in_dim3A_879 = vector.broadcast %broadcast_in_dim3A_878 : i32 to vector<16xi32>
      %lt3A_880 = arith.constant 0 : i32
      %lt3A_881 = vector.broadcast %lt3A_880 : i32 to vector<16xi32>
      %lt3A_882 = arith.cmpi slt, %broadcast_in_dim3A_879, %lt3A_881 : vector<16xi32>
      %add3A_883 = arith.constant 16 : i32
      %add3A_884 = vector.broadcast %add3A_883 : i32 to vector<16xi32>
      %add3A_885 = arith.addi %broadcast_in_dim3A_879, %add3A_884 : vector<16xi32>
      %select_n3A_886 = arith.select %lt3A_882, %add3A_885, %broadcast_in_dim3A_879 : vector<16xi1>, vector<16xi32>
      %broadcast_in_dim3A_887 = vector.shape_cast %select_n3A_886 : vector<16xi32> to vector<16x1xi32>
      %gather3A_888 = vector.shape_cast %broadcast_in_dim3A_887 : vector<16x1xi32> to vector<16xi32>
      %gather3A_889 = tpu.dynamic_gather %get3A_233[%gather3A_888] in [0] : vector<16xf32>, vector<16xi32> -> vector<16xf32>
      %mul3A_890 = arith.constant 16 : i32
      %mul3A_891 = arith.muli %scan3A_219, %mul3A_890 : i32
      %add3A_892 = arith.constant 14 : i32
      %add3A_893 = arith.addi %mul3A_891, %add3A_892 : i32
      %mul3A_894 = arith.constant 64 : i32
      %mul3A_895 = arith.muli %add3A_893, %mul3A_894 : i32
      %get3A_896 = arith.index_cast %mul3A_895 : i32 to index
      %get3A_897 = tpu.vector_load %arg9[%get3A_896] {strides = array<i32>} : memref<7168xf32, #tpu.memory_space<vmem>>, vector<16xf32>,
      %mul3A_898 = arith.mulf %gather3A_889, %get3A_897 : vector<16xf32>
      %add3A_899 = arith.addf %add3A_807, %mul3A_898 : vector<16xf32>
      %mul3A_900 = arith.constant 64 : i32
      %mul3A_901 = arith.muli %add3A_893, %mul3A_900 : i32
      %add3A_902 = arith.constant 16 : i32
      %add3A_903 = arith.addi %mul3A_901, %add3A_902 : i32
      %get3A_904 = arith.index_cast %add3A_903 : i32 to index
      %get3A_905 = tpu.vector_load %arg9[%get3A_904] {strides = array<i32>} : memref<7168xf32, #tpu.memory_space<vmem>>, vector<16xf32>,
      %mul3A_906 = arith.mulf %gather3A_889, %get3A_905 : vector<16xf32>
      %add3A_907 = arith.addf %add3A_815, %mul3A_906 : vector<16xf32>
      %mul3A_908 = arith.constant 64 : i32
      %mul3A_909 = arith.muli %add3A_893, %mul3A_908 : i32
      %add3A_910 = arith.constant 32 : i32
      %add3A_911 = arith.addi %mul3A_909, %add3A_910 : i32
      %get3A_912 = arith.index_cast %add3A_911 : i32 to index
      %get3A_913 = tpu.vector_load %arg9[%get3A_912] {strides = array<i32>} : memref<7168xf32, #tpu.memory_space<vmem>>, vector<16xf32>,
      %mul3A_914 = arith.mulf %gather3A_889, %get3A_913 : vector<16xf32>
      %add3A_915 = arith.addf %add3A_823, %mul3A_914 : vector<16xf32>
      %mul3A_916 = arith.constant 64 : i32
      %mul3A_917 = arith.muli %add3A_893, %mul3A_916 : i32
      %add3A_918 = arith.constant 48 : i32
      %add3A_919 = arith.addi %mul3A_917, %add3A_918 : i32
      %get3A_920 = arith.index_cast %add3A_919 : i32 to index
      %get3A_921 = tpu.vector_load %arg9[%get3A_920] {strides = array<i32>} : memref<7168xf32, #tpu.memory_space<vmem>>, vector<16xf32>,
      %mul3A_922 = arith.mulf %gather3A_889, %get3A_921 : vector<16xf32>
      %add3A_923 = arith.addf %add3A_831, %mul3A_922 : vector<16xf32>
      %broadcast_in_dim3A_924 = arith.constant 15 : i32
      %broadcast_in_dim3A_925 = vector.broadcast %broadcast_in_dim3A_924 : i32 to vector<16xi32>
      %lt3A_926 = arith.constant 0 : i32
      %lt3A_927 = vector.broadcast %lt3A_926 : i32 to vector<16xi32>
      %lt3A_928 = arith.cmpi slt, %broadcast_in_dim3A_925, %lt3A_927 : vector<16xi32>
      %add3A_929 = arith.constant 16 : i32
      %add3A_930 = vector.broadcast %add3A_929 : i32 to vector<16xi32>
      %add3A_931 = arith.addi %broadcast_in_dim3A_925, %add3A_930 : vector<16xi32>
      %select_n3A_932 = arith.select %lt3A_928, %add3A_931, %broadcast_in_dim3A_925 : vector<16xi1>, vector<16xi32>
      %broadcast_in_dim3A_933 = vector.shape_cast %select_n3A_932 : vector<16xi32> to vector<16x1xi32>
      %gather3A_934 = vector.shape_cast %broadcast_in_dim3A_933 : vector<16x1xi32> to vector<16xi32>
      %gather3A_935 = tpu.dynamic_gather %get3A_233[%gather3A_934] in [0] : vector<16xf32>, vector<16xi32> -> vector<16xf32>
      %mul3A_936 = arith.constant 16 : i32
      %mul3A_937 = arith.muli %scan3A_219, %mul3A_936 : i32
      %add3A_938 = arith.constant 15 : i32
      %add3A_939 = arith.addi %mul3A_937, %add3A_938 : i32
      %mul3A_940 = arith.constant 64 : i32
      %mul3A_941 = arith.muli %add3A_939, %mul3A_940 : i32
      %get3A_942 = arith.index_cast %mul3A_941 : i32 to index
      %get3A_943 = tpu.vector_load %arg9[%get3A_942] {strides = array<i32>} : memref<7168xf32, #tpu.memory_space<vmem>>, vector<16xf32>,
      %mul3A_944 = arith.mulf %gather3A_935, %get3A_943 : vector<16xf32>
      %add3A_945 = arith.addf %add3A_853, %mul3A_944 : vector<16xf32>
      %mul3A_946 = arith.constant 64 : i32
      %mul3A_947 = arith.muli %add3A_939, %mul3A_946 : i32
      %add3A_948 = arith.constant 16 : i32
      %add3A_949 = arith.addi %mul3A_947, %add3A_948 : i32
      %get3A_950 = arith.index_cast %add3A_949 : i32 to index
      %get3A_951 = tpu.vector_load %arg9[%get3A_950] {strides = array<i32>} : memref<7168xf32, #tpu.memory_space<vmem>>, vector<16xf32>,
      %mul3A_952 = arith.mulf %gather3A_935, %get3A_951 : vector<16xf32>
      %add3A_953 = arith.addf %add3A_861, %mul3A_952 : vector<16xf32>
      %mul3A_954 = arith.constant 64 : i32
      %mul3A_955 = arith.muli %add3A_939, %mul3A_954 : i32
      %add3A_956 = arith.constant 32 : i32
      %add3A_957 = arith.addi %mul3A_955, %add3A_956 : i32
      %get3A_958 = arith.index_cast %add3A_957 : i32 to index
      %get3A_959 = tpu.vector_load %arg9[%get3A_958] {strides = array<i32>} : memref<7168xf32, #tpu.memory_space<vmem>>, vector<16xf32>,
      %mul3A_960 = arith.mulf %gather3A_935, %get3A_959 : vector<16xf32>
      %add3A_961 = arith.addf %add3A_869, %mul3A_960 : vector<16xf32>
      %mul3A_962 = arith.constant 64 : i32
      %mul3A_963 = arith.muli %add3A_939, %mul3A_962 : i32
      %add3A_964 = arith.constant 48 : i32
      %add3A_965 = arith.addi %mul3A_963, %add3A_964 : i32
      %get3A_966 = arith.index_cast %add3A_965 : i32 to index
      %get3A_967 = tpu.vector_load %arg9[%get3A_966] {strides = array<i32>} : memref<7168xf32, #tpu.memory_space<vmem>>, vector<16xf32>,
      %mul3A_968 = arith.mulf %gather3A_935, %get3A_967 : vector<16xf32>
      %add3A_969 = arith.addf %add3A_877, %mul3A_968 : vector<16xf32>
      scf.yield %add3A_899, %add3A_907, %add3A_915, %add3A_923, %add3A_945, %add3A_953, %add3A_961, %add3A_969 : vector<16xf32>, vector<16xf32>, vector<16xf32>, vector<16xf32>, vector<16xf32>, vector<16xf32>, vector<16xf32>, vector<16xf32>
    }
    %scan3A_52 = arith.constant 7 : i32
    %add3A_53 = arith.addf %scan3A_51#0, %scan3A_51#4 : vector<16xf32>
    %add3A_54 = arith.addf %scan3A_51#1, %scan3A_51#5 : vector<16xf32>
    %add3A_55 = arith.addf %scan3A_51#2, %scan3A_51#6 : vector<16xf32>
    %add3A_56 = arith.addf %scan3A_51#3, %scan3A_51#7 : vector<16xf32>
    %mul3A_57 = arith.mulf %add3A_53, %add3A_53 : vector<16xf32>
    %mul3A_58 = arith.mulf %add3A_54, %add3A_54 : vector<16xf32>
    %add3A_59 = arith.addf %mul3A_57, %mul3A_58 : vector<16xf32>
    %mul3A_60 = arith.mulf %add3A_55, %add3A_55 : vector<16xf32>
    %add3A_61 = arith.addf %add3A_59, %mul3A_60 : vector<16xf32>
    %mul3A_62 = arith.mulf %add3A_56, %add3A_56 : vector<16xf32>
    %add3A_63 = arith.addf %add3A_61, %mul3A_62 : vector<16xf32>
    %add3A_64 = arith.constant 1 : i32
    %add3A_65 = vector.broadcast %add3A_64 : i32 to vector<16xi32>
    %add3A_66 = arith.addi %iota3A, %add3A_65 : vector<16xi32>
    %jit3A_67 = arith.constant 16 : i32
    %eq3A = arith.constant 0 : i32
    %eq3A_68 = arith.cmpi eq, %jit3A_67, %eq3A : i32
    %jit3A_69 = arith.constant 1 : i32
    %select_n3A_70 = arith.select %eq3A_68, %jit3A_69, %jit3A_67 : i32
    %rem3A_71 = vector.broadcast %select_n3A_70 : i32 to vector<16xi32>
    %rem3A_72 = arith.remsi %add3A_66, %rem3A_71 : vector<16xi32>
    %ne3A_73 = arith.constant 0 : i32
    %ne3A_74 = vector.broadcast %ne3A_73 : i32 to vector<16xi32>
    %ne3A_75 = arith.cmpi ne, %rem3A_72, %ne3A_74 : vector<16xi32>
    %lt3A = arith.constant 0 : i32
    %lt3A_76 = vector.broadcast %lt3A : i32 to vector<16xi32>
    %lt3A_77 = arith.cmpi slt, %rem3A_72, %lt3A_76 : vector<16xi32>
    %lt3A_78 = arith.constant 0 : i32
    %lt3A_79 = arith.cmpi slt, %select_n3A_70, %lt3A_78 : i32
    %ne3A_80 = vector.broadcast %lt3A_79 : i1 to vector<16xi1>
    %ne3A_81 = vector.broadcast %ne3A_80 : vector<16xi1> to vector<16xi1>
    %ne3A_82 = arith.xori %lt3A_77, %ne3A_81 : vector<16xi1>
    %and3A_83 = arith.andi %ne3A_82, %ne3A_75 : vector<16xi1>
    %add3A_84 = vector.broadcast %select_n3A_70 : i32 to vector<16xi32>
    %add3A_85 = arith.addi %rem3A_72, %add3A_84 : vector<16xi32>
    %select_n3A_86 = arith.select %and3A_83, %add3A_85, %rem3A_72 : vector<16xi1>, vector<16xi32>
    %lt3A_87 = arith.constant 0 : i32
    %lt3A_88 = vector.broadcast %lt3A_87 : i32 to vector<16xi32>
    %lt3A_89 = arith.cmpi slt, %select_n3A_86, %lt3A_88 : vector<16xi32>
    %add3A_90 = arith.constant 16 : i32
    %add3A_91 = vector.broadcast %add3A_90 : i32 to vector<16xi32>
    %add3A_92 = arith.addi %select_n3A_86, %add3A_91 : vector<16xi32>
    %select_n3A_93 = arith.select %lt3A_89, %add3A_92, %select_n3A_86 : vector<16xi1>, vector<16xi32>
    %broadcast_in_dim3A_94 = vector.shape_cast %select_n3A_93 : vector<16xi32> to vector<16x1xi32>
    %gather3A = vector.shape_cast %broadcast_in_dim3A_94 : vector<16x1xi32> to vector<16xi32>
    %gather3A_95 = tpu.dynamic_gather %add3A_63[%gather3A] in [0] : vector<16xf32>, vector<16xi32> -> vector<16xf32>
    %add3A_96 = arith.addf %add3A_63, %gather3A_95 : vector<16xf32>
    %add3A_97 = arith.constant 2 : i32
    %add3A_98 = vector.broadcast %add3A_97 : i32 to vector<16xi32>
    %add3A_99 = arith.addi %iota3A, %add3A_98 : vector<16xi32>
    %jit3A_100 = arith.constant 16 : i32
    %eq3A_101 = arith.constant 0 : i32
    %eq3A_102 = arith.cmpi eq, %jit3A_100, %eq3A_101 : i32
    %jit3A_103 = arith.constant 1 : i32
    %select_n3A_104 = arith.select %eq3A_102, %jit3A_103, %jit3A_100 : i32
    %rem3A_105 = vector.broadcast %select_n3A_104 : i32 to vector<16xi32>
    %rem3A_106 = arith.remsi %add3A_99, %rem3A_105 : vector<16xi32>
    %ne3A_107 = arith.constant 0 : i32
    %ne3A_108 = vector.broadcast %ne3A_107 : i32 to vector<16xi32>
    %ne3A_109 = arith.cmpi ne, %rem3A_106, %ne3A_108 : vector<16xi32>
    %lt3A_110 = arith.constant 0 : i32
    %lt3A_111 = vector.broadcast %lt3A_110 : i32 to vector<16xi32>
    %lt3A_112 = arith.cmpi slt, %rem3A_106, %lt3A_111 : vector<16xi32>
    %lt3A_113 = arith.constant 0 : i32
    %lt3A_114 = arith.cmpi slt, %select_n3A_104, %lt3A_113 : i32
    %ne3A_115 = vector.broadcast %lt3A_114 : i1 to vector<16xi1>
    %ne3A_116 = vector.broadcast %ne3A_115 : vector<16xi1> to vector<16xi1>
    %ne3A_117 = arith.xori %lt3A_112, %ne3A_116 : vector<16xi1>
    %and3A_118 = arith.andi %ne3A_117, %ne3A_109 : vector<16xi1>
    %add3A_119 = vector.broadcast %select_n3A_104 : i32 to vector<16xi32>
    %add3A_120 = arith.addi %rem3A_106, %add3A_119 : vector<16xi32>
    %select_n3A_121 = arith.select %and3A_118, %add3A_120, %rem3A_106 : vector<16xi1>, vector<16xi32>
    %lt3A_122 = arith.constant 0 : i32
    %lt3A_123 = vector.broadcast %lt3A_122 : i32 to vector<16xi32>
    %lt3A_124 = arith.cmpi slt, %select_n3A_121, %lt3A_123 : vector<16xi32>
    %add3A_125 = arith.constant 16 : i32
    %add3A_126 = vector.broadcast %add3A_125 : i32 to vector<16xi32>
    %add3A_127 = arith.addi %select_n3A_121, %add3A_126 : vector<16xi32>
    %select_n3A_128 = arith.select %lt3A_124, %add3A_127, %select_n3A_121 : vector<16xi1>, vector<16xi32>
    %broadcast_in_dim3A_129 = vector.shape_cast %select_n3A_128 : vector<16xi32> to vector<16x1xi32>
    %gather3A_130 = vector.shape_cast %broadcast_in_dim3A_129 : vector<16x1xi32> to vector<16xi32>
    %gather3A_131 = tpu.dynamic_gather %add3A_96[%gather3A_130] in [0] : vector<16xf32>, vector<16xi32> -> vector<16xf32>
    %add3A_132 = arith.addf %add3A_96, %gather3A_131 : vector<16xf32>
    %add3A_133 = arith.constant 4 : i32
    %add3A_134 = vector.broadcast %add3A_133 : i32 to vector<16xi32>
    %add3A_135 = arith.addi %iota3A, %add3A_134 : vector<16xi32>
    %jit3A_136 = arith.constant 16 : i32
    %eq3A_137 = arith.constant 0 : i32
    %eq3A_138 = arith.cmpi eq, %jit3A_136, %eq3A_137 : i32
    %jit3A_139 = arith.constant 1 : i32
    %select_n3A_140 = arith.select %eq3A_138, %jit3A_139, %jit3A_136 : i32
    %rem3A_141 = vector.broadcast %select_n3A_140 : i32 to vector<16xi32>
    %rem3A_142 = arith.remsi %add3A_135, %rem3A_141 : vector<16xi32>
    %ne3A_143 = arith.constant 0 : i32
    %ne3A_144 = vector.broadcast %ne3A_143 : i32 to vector<16xi32>
    %ne3A_145 = arith.cmpi ne, %rem3A_142, %ne3A_144 : vector<16xi32>
    %lt3A_146 = arith.constant 0 : i32
    %lt3A_147 = vector.broadcast %lt3A_146 : i32 to vector<16xi32>
    %lt3A_148 = arith.cmpi slt, %rem3A_142, %lt3A_147 : vector<16xi32>
    %lt3A_149 = arith.constant 0 : i32
    %lt3A_150 = arith.cmpi slt, %select_n3A_140, %lt3A_149 : i32
    %ne3A_151 = vector.broadcast %lt3A_150 : i1 to vector<16xi1>
    %ne3A_152 = vector.broadcast %ne3A_151 : vector<16xi1> to vector<16xi1>
    %ne3A_153 = arith.xori %lt3A_148, %ne3A_152 : vector<16xi1>
    %and3A_154 = arith.andi %ne3A_153, %ne3A_145 : vector<16xi1>
    %add3A_155 = vector.broadcast %select_n3A_140 : i32 to vector<16xi32>
    %add3A_156 = arith.addi %rem3A_142, %add3A_155 : vector<16xi32>
    %select_n3A_157 = arith.select %and3A_154, %add3A_156, %rem3A_142 : vector<16xi1>, vector<16xi32>
    %lt3A_158 = arith.constant 0 : i32
    %lt3A_159 = vector.broadcast %lt3A_158 : i32 to vector<16xi32>
    %lt3A_160 = arith.cmpi slt, %select_n3A_157, %lt3A_159 : vector<16xi32>
    %add3A_161 = arith.constant 16 : i32
    %add3A_162 = vector.broadcast %add3A_161 : i32 to vector<16xi32>
    %add3A_163 = arith.addi %select_n3A_157, %add3A_162 : vector<16xi32>
    %select_n3A_164 = arith.select %lt3A_160, %add3A_163, %select_n3A_157 : vector<16xi1>, vector<16xi32>
    %broadcast_in_dim3A_165 = vector.shape_cast %select_n3A_164 : vector<16xi32> to vector<16x1xi32>
    %gather3A_166 = vector.shape_cast %broadcast_in_dim3A_165 : vector<16x1xi32> to vector<16xi32>
    %gather3A_167 = tpu.dynamic_gather %add3A_132[%gather3A_166] in [0] : vector<16xf32>, vector<16xi32> -> vector<16xf32>
    %add3A_168 = arith.addf %add3A_132, %gather3A_167 : vector<16xf32>
    %add3A_169 = arith.constant 8 : i32
    %add3A_170 = vector.broadcast %add3A_169 : i32 to vector<16xi32>
    %add3A_171 = arith.addi %iota3A, %add3A_170 : vector<16xi32>
    %jit3A_172 = arith.constant 16 : i32
    %eq3A_173 = arith.constant 0 : i32
    %eq3A_174 = arith.cmpi eq, %jit3A_172, %eq3A_173 : i32
    %jit3A_175 = arith.constant 1 : i32
    %select_n3A_176 = arith.select %eq3A_174, %jit3A_175, %jit3A_172 : i32
    %rem3A_177 = vector.broadcast %select_n3A_176 : i32 to vector<16xi32>
    %rem3A_178 = arith.remsi %add3A_171, %rem3A_177 : vector<16xi32>
    %ne3A_179 = arith.constant 0 : i32
    %ne3A_180 = vector.broadcast %ne3A_179 : i32 to vector<16xi32>
    %ne3A_181 = arith.cmpi ne, %rem3A_178, %ne3A_180 : vector<16xi32>
    %lt3A_182 = arith.constant 0 : i32
    %lt3A_183 = vector.broadcast %lt3A_182 : i32 to vector<16xi32>
    %lt3A_184 = arith.cmpi slt, %rem3A_178, %lt3A_183 : vector<16xi32>
    %lt3A_185 = arith.constant 0 : i32
    %lt3A_186 = arith.cmpi slt, %select_n3A_176, %lt3A_185 : i32
    %ne3A_187 = vector.broadcast %lt3A_186 : i1 to vector<16xi1>
    %ne3A_188 = vector.broadcast %ne3A_187 : vector<16xi1> to vector<16xi1>
    %ne3A_189 = arith.xori %lt3A_184, %ne3A_188 : vector<16xi1>
    %and3A_190 = arith.andi %ne3A_189, %ne3A_181 : vector<16xi1>
    %add3A_191 = vector.broadcast %select_n3A_176 : i32 to vector<16xi32>
    %add3A_192 = arith.addi %rem3A_178, %add3A_191 : vector<16xi32>
    %select_n3A_193 = arith.select %and3A_190, %add3A_192, %rem3A_178 : vector<16xi1>, vector<16xi32>
    %lt3A_194 = arith.constant 0 : i32
    %lt3A_195 = vector.broadcast %lt3A_194 : i32 to vector<16xi32>
    %lt3A_196 = arith.cmpi slt, %select_n3A_193, %lt3A_195 : vector<16xi32>
    %add3A_197 = arith.constant 16 : i32
    %add3A_198 = vector.broadcast %add3A_197 : i32 to vector<16xi32>
    %add3A_199 = arith.addi %select_n3A_193, %add3A_198 : vector<16xi32>
    %select_n3A_200 = arith.select %lt3A_196, %add3A_199, %select_n3A_193 : vector<16xi1>, vector<16xi32>
    %broadcast_in_dim3A_201 = vector.shape_cast %select_n3A_200 : vector<16xi32> to vector<16x1xi32>
    %gather3A_202 = vector.shape_cast %broadcast_in_dim3A_201 : vector<16x1xi32> to vector<16xi32>
    %gather3A_203 = tpu.dynamic_gather %add3A_168[%gather3A_202] in [0] : vector<16xf32>, vector<16xi32> -> vector<16xf32>
    %add3A_204 = arith.addf %add3A_168, %gather3A_203 : vector<16xf32>
    %mul3A_205 = arith.constant 5.000000e-01 : f32
    %mul3A_206 = vector.broadcast %mul3A_205 : f32 to vector<16xf32>
    %mul3A_207 = arith.mulf %mul3A_206, %add3A_204 : vector<16xf32>
    %add3A_208 = arith.constant 0 : i32
    %add3A_209 = vector.broadcast %add3A_208 : i32 to vector<16xi32>
    %add3A_210 = arith.addi %iota3A, %add3A_209 : vector<16xi32>
    %eq3A_211 = vector.broadcast %scan3A : i32 to vector<16xi32>
    %eq3A_212 = arith.cmpi eq, %add3A_210, %eq3A_211 : vector<16xi32>
    %select_n3A_213 = arith.select %eq3A_212, %mul3A_207, %broadcast_in_dim3A_7 : vector<16xi1>, vector<16xf32>
    %scan3A_214 = arith.constant 1 : i32
    %swap3A_215 = arith.constant 0 : index
    %swap3A_216 = tpu.vector_load %arg12[%swap3A_215] {strides = array<i32>} : memref<16xf32, #tpu.memory_space<vmem>>, vector<16xf32>,
    tpu.vector_store %arg12[%swap3A_215], %select_n3A_213 {strides = array<i32>} : memref<16xf32, #tpu.memory_space<vmem>>, vector<16xf32>,
    %mul3A_217 = arith.constant 8 : i32
    %mul3A_218 = arith.muli %add3A, %mul3A_217 : i32
    "tpu.region"() ({
      %run_scoped3A = tpu.sem_alloc : memref<!tpu.dma_semaphore, #tpu.memory_space<semaphore_mem>>
      %dma_start3A = arith.constant 0 : i32
      %dma_start3A_219 = tpu.memref_slice %arg12[%dma_start3A] : memref<16xf32, #tpu.memory_space<vmem>> -> memref<8xf32, #tpu.memory_space<vmem>>
      %dma_start3A_220 = tpu.memref_slice %arg6[%mul3A_218] : memref<256xf32, #tpu.memory_space<hbm>> -> memref<8xf32, #tpu.memory_space<hbm>>
      %dma_start3A_221 = tpu.memref_slice %arg6[%mul3A_218] : memref<256xf32, #tpu.memory_space<hbm>> -> memref<8xf32, #tpu.memory_space<hbm>>
      %dma_start3A_222 = arith.constant 0 : i32
      %dma_start3A_223 = tpu.memref_slice %arg12[%dma_start3A_222] : memref<16xf32, #tpu.memory_space<vmem>> -> memref<8xf32, #tpu.memory_space<vmem>>
      tpu.enqueue_dma source(%dma_start3A_223 : memref<8xf32, #tpu.memory_space<vmem>>) target(%dma_start3A_221 : memref<8xf32, #tpu.memory_space<hbm>>) target_semaphore(%run_scoped3A : memref<!tpu.dma_semaphore, #tpu.memory_space<semaphore_mem>>)
      %dma_wait3A = arith.constant 0 : i32
      %dma_wait3A_224 = tpu.memref_slice %arg12[%dma_wait3A] : memref<16xf32, #tpu.memory_space<vmem>> -> memref<8xf32, #tpu.memory_space<vmem>>
      %dma_wait3A_225 = tpu.memref_slice %arg6[%mul3A_218] : memref<256xf32, #tpu.memory_space<hbm>> -> memref<8xf32, #tpu.memory_space<hbm>>
      %dma_wait3A_226 = tpu.memref_slice %arg6[%mul3A_218] : memref<256xf32, #tpu.memory_space<hbm>> -> memref<8xf32, #tpu.memory_space<hbm>>
      %dma_wait3A_227 = arith.constant 0 : i32
      %dma_wait3A_228 = tpu.memref_slice %arg12[%dma_wait3A_227] : memref<16xf32, #tpu.memory_space<vmem>> -> memref<8xf32, #tpu.memory_space<vmem>>
      tpu.wait_dma2 semaphore(%run_scoped3A : memref<!tpu.dma_semaphore, #tpu.memory_space<semaphore_mem>>) src(%dma_wait3A_228 : memref<8xf32, #tpu.memory_space<vmem>>) dst(%dma_wait3A_226 : memref<8xf32, #tpu.memory_space<hbm>>)
      tpu.yield
    }) : () -> ()
    return
  }
}

module attributes {stable_mosaic.version = 14 : i64} {
  func.func @_fm_tc_block(%arg0: i32, %arg1: memref<992x100xf32, #tpu.memory_space<vmem>>, %arg2: memref<992x1000xi8, #tpu.memory_space<vmem>>, %arg3: memref<100x64xf32, #tpu.memory_space<vmem>>, %arg4: memref<1000x64xf32, #tpu.memory_space<vmem>>, %arg5: memref<1x1x992xf32, #tpu.memory_space<vmem>>) attributes {dimension_semantics = [#tpu.dimension_semantics<arbitrary>], iteration_bounds = array<i64: 1>, scalar_prefetch = 0 : i64, scratch_operands = 0 : i64, tpu.core_type = #tpu.core_type<tc>, window_params = [{transform_indices = @transform_0, window_bounds = array<i64: 992, 100>}, {transform_indices = @transform_1, window_bounds = array<i64: 992, 1000>}, {pipeline_mode = #tpu.pipeline_mode<synchronous>, transform_indices = @transform_2, window_bounds = array<i64: 100, 64>}, {pipeline_mode = #tpu.pipeline_mode<synchronous>, transform_indices = @transform_3, window_bounds = array<i64: 1000, 64>}, {transform_indices = @transform_4, window_bounds = array<i64: 1, 1, 992>}]} {
    %get3A = arith.constant 0 : index
    %get3A_0 = arith.constant 0 : index
    %get3A_1 = vector.load %arg2[%get3A, %get3A_0] : memref<992x1000xi8, #tpu.memory_space<vmem>>, vector<992x1000xi8>
    %ne3A = arith.constant 0 : i8
    %ne3A_2 = vector.broadcast %ne3A : i8 to vector<992x1000xi8>
    %ne3A_3 = arith.cmpi ne, %get3A_1, %ne3A_2 : vector<992x1000xi8>
    %convert_element_type3A = arith.extui %ne3A_3 : vector<992x1000xi1> to vector<992x1000xi32>
    %convert_element_type3A_4 = arith.sitofp %convert_element_type3A : vector<992x1000xi32> to vector<992x1000xf32>
    %get3A_5 = arith.constant 0 : index
    %get3A_6 = arith.constant 0 : index
    %get3A_7 = vector.load %arg1[%get3A_5, %get3A_6] : memref<992x100xf32, #tpu.memory_space<vmem>>, vector<992x100xf32>
    %get3A_8 = arith.constant 0 : index
    %get3A_9 = arith.constant 0 : index
    %get3A_10 = vector.load %arg3[%get3A_8, %get3A_9] : memref<100x64xf32, #tpu.memory_space<vmem>>, vector<100x64xf32>
    %dot_general3A = arith.constant dense<0.000000e+00> : vector<992x64xf32>
    %dot_general3A_11 = tpu.matmul %get3A_7, %get3A_10, %dot_general3A {dimension_numbers = #tpu.dot_dimension_numbers<[1], [0], [0], [1], [0, 0, 1, 1], [], []>, transpose_lhs_hint = false} : vector<992x100xf32>, vector<100x64xf32>, vector<992x64xf32> -> vector<992x64xf32>
    %get3A_12 = arith.constant 0 : index
    %get3A_13 = arith.constant 0 : index
    %get3A_14 = vector.load %arg4[%get3A_12, %get3A_13] : memref<1000x64xf32, #tpu.memory_space<vmem>>, vector<1000x64xf32>
    %dot_general3A_15 = arith.constant dense<0.000000e+00> : vector<992x64xf32>
    %dot_general3A_16 = tpu.matmul %convert_element_type3A_4, %get3A_14, %dot_general3A_15 {dimension_numbers = #tpu.dot_dimension_numbers<[1], [0], [0], [1], [0, 0, 1, 1], [], []>, transpose_lhs_hint = false} : vector<992x1000xf32>, vector<1000x64xf32>, vector<992x64xf32> -> vector<992x64xf32>
    %add3A = arith.addf %dot_general3A_11, %dot_general3A_16 : vector<992x64xf32>
    %mul3A = arith.mulf %add3A, %add3A : vector<992x64xf32>
    %reduce_sum3A = arith.constant dense<0.000000e+00> : vector<992xf32>
    %reduce_sum3A_17 = vector.multi_reduction <add>, %mul3A, %reduce_sum3A [1] : vector<992x64xf32> to vector<992xf32>
    %mul3A_18 = arith.constant 5.000000e-01 : f32
    %mul3A_19 = vector.broadcast %mul3A_18 : f32 to vector<992xf32>
    %mul3A_20 = arith.mulf %mul3A_19, %reduce_sum3A_17 : vector<992xf32>
    %reshape3A = vector.shape_cast %mul3A_20 : vector<992xf32> to vector<1x1x992xf32>
    %swap3A = arith.constant 0 : index
    %swap3A_21 = arith.constant 0 : index
    %swap3A_22 = arith.constant 0 : index
    %swap3A_23 = vector.load %arg5[%swap3A, %swap3A_21, %swap3A_22] : memref<1x1x992xf32, #tpu.memory_space<vmem>>, vector<1x1x992xf32>
    tpu.vector_store %arg5[%swap3A, %swap3A_21, %swap3A_22], %reshape3A {strides = array<i32>} : memref<1x1x992xf32, #tpu.memory_space<vmem>>, vector<1x1x992xf32>,
    return
  }
  func.func @transform_0(%arg0: i32) -> (i32, i32) {
    %c0_i32 = arith.constant 0 : i32
    %c0_i32_0 = arith.constant 0 : i32
    return %arg0, %c0_i32 : i32, i32
  }
  func.func @transform_1(%arg0: i32) -> (i32, i32) {
    %c0_i32 = arith.constant 0 : i32
    %c0_i32_0 = arith.constant 0 : i32
    return %arg0, %c0_i32 : i32, i32
  }
  func.func @transform_2(%arg0: i32) -> (i32, i32) {
    %c0_i32 = arith.constant 0 : i32
    %c0_i32_0 = arith.constant 0 : i32
    %c0_i32_1 = arith.constant 0 : i32
    return %c0_i32, %c0_i32_0 : i32, i32
  }
  func.func @transform_3(%arg0: i32) -> (i32, i32) {
    %c0_i32 = arith.constant 0 : i32
    %c0_i32_0 = arith.constant 0 : i32
    %c0_i32_1 = arith.constant 0 : i32
    return %c0_i32, %c0_i32_0 : i32, i32
  }
  func.func @transform_4(%arg0: i32) -> (i32, i32, i32) {
    %c0_i32 = arith.constant 0 : i32
    %c0_i32_0 = arith.constant 0 : i32
    %c0_i32_1 = arith.constant 0 : i32
    return %arg0, %c0_i32, %c0_i32_0 : i32, i32, i32
  }
}

</mosaic_0001>

<sc_bundles>
// kernel: kernel.4.cloned.1.call-start
scs
__scs_entry_jumppad:
0x0: {  	(pc) =	sbr.rel $0x88, $3  }
0x1: {  	(tag) =	ssettag $0x0;
	lr =	simm.s32 $0x1  }
0x2: {  	[smem:$0x3F9D] =	sst lr;
	_ =	strace $0xD0000000  }
0x3: {  	_ = 	snop  }
0x4: {  	_ = 	snop  }
0x5: {  	_ = 	snop  }
0x6: {  	_ = 	snop  }
0x7: {  	_ = 	snop  }
__scs_overlays_trampoline_lowered:
0x8: {  	[smem:$0x3FAC] =	sst s0  }
0x9: {  	[smem:$0x3FAD] =	sst s1  }
0xa: {  	[smem:$0x3FAE] =	sst s2  }
0xb: {  	[smem:$0x3FAF] =	sst s3  }
0xc: {  	[smem:$0x3FB0] =	sst s4  }
0xd: {  	[smem:$0x3FB1] =	sst s5  }
0xe: {  	[smem:$0x3FB2] =	sst s6  }
0xf: {  	[smem:$0x3FB3] =	sst s7  }
0x10: {  	[smem:$0x3FB4] =	sst s8  }
0x11: {  	[smem:$0x3FB5] =	sst s9;
	s0 =	simm.s32 @!p0 $0x0  }
0x12: {  	s1 =	sld [smem:$0x3F9B];
	s0 =	simm.s32 @p0 $0x1  }
0x13: {  	[smem:$0x3FB6] =	sst s0;
	s0 =	simm.s32 @!p1 $0x0  }
0x14: {  	s2 =	sld [smem:$0x3F9A];
	s0 =	simm.s32 @p1 $0x1  }
0x15: {  	[smem:$0x3FB7] =	sst s0;
	s0 =	simm.s32 @!p2 $0x0  }
0x16: {  	s3 =	sld [smem:$0x3FDB];
	s0 =	simm.s32 @p2 $0x1  }
0x17: {  	s4 =	simm.s32 $0x1BF5;
	[smem:$0x3FB9] =	sst s0  }
0x18: {  	s0 =	sld [smem:$0x3F9C];
	_ =	swait.ge [sflag:s4], $0x0  }
0x19: {  	s7 =	sld [smem:$0x3F9D]  }
0x1a: {  	s8 =	sadd.s32 $0xFFFFE003, lr  }
0x1b: {  	s9 =	sadd.s32 $0xFFFFFEF7, lr;
	s5 =	simm.s32 $0xFFFFFFFF;
	p2 =	slt.u32 s8, $0xFFFFF086  }
0x1c: {  	p1 =	slt.u32 s9, $0xF7A;
	s5 =	simm.s32 @!p2 $0x0  }
0x1d: {  	s5 =	simm.s32 @p1 $0x1;
	p0 =	seq.s32 s7, s2  }
0x1e: {  	s7 =	smul.u32 @!p0 $0xF7A, s2;
	p2 =	seq.s32 @!p0 s5, $0x0  }
0x1f: {  	s9 =	smul.u32 $0xF7A, s1;
	s8 =	simm.s32 @!p0 $0x1BF5;
	p2 =	por !p2, p0  }
0x20: {  	[sflag:s8] =	ssyncset.s32 @!p0 $0xFFFFF086;
	s6 =	sadd.s32 @!p0 s3, s7;
	s7 =	simm.s32 @!p0 $0x108  }
0x21: {  	s3 =	sadd.s32 s3, s9;
	s6 =	sadd.s32 @!p0 $0x88, s6;
	s7 =	simm.s32 @p2 $0x1082  }
0x22: {  	[simem:s7], [sflag:s8] =	dma.local @!p0 [hbm:s6], $0xF7A  }
0x23: {  	s9 =	sor.u32 $0xD0000000, s2;
	s6 =	simm.s32 $0x108;
	_ =	swait.ge @!p0 [sflag:s8], $0x0  }
0x24: {  	s3 =	sadd.s32 $0x88, s3;
	s6 =	simm.s32 @!p1 $0x1082;
	[sflag:s4] =	ssyncset.s32 $0xFFFFF086  }
0x25: {  	[simem:s6], [sflag:s4] =	dma.local [hbm:s3], $0xF7A  }
0x26: {  	[smem:$0x3F9D] =	sst s1;
	(tag) =	ssettag s2;
	_ =	strace s9  }
0x27: {  	s1 =	sld [smem:$0x3FAD]  }
0x28: {  	s2 =	sld [smem:$0x3FAE]  }
0x29: {  	s4 =	sld [smem:$0x3FB0]  }
0x2a: {  	p0 =	seq.s32 s5, $0x0;
	s5 =	sld [smem:$0x3FB1]  }
0x2b: {  	s6 =	sld [smem:$0x3FB2]  }
0x2c: {  	s7 =	sld [smem:$0x3FB3]  }
0x2d: {  	s3 =	simm.s32 $0x108;
	s8 =	sld [smem:$0x3FB4]  }
0x2e: {  	s3 =	simm.s32 @!p0 $0x1082;
	s9 =	sld [smem:$0x3FB5]  }
0x2f: {  	lr =	sadd.s32 s0, s3;
	s0 =	sld [smem:$0x3FAC]  }
0x30: {  	s3 =	sld [smem:$0x3FAF]  }
0x31: {  	[smem:$0x3FB8] =	sst s10  }
0x32: {  	s10 =	sld [smem:$0x3FB6];
	_ =	sdelay $0x3  }
0x33: {  	p0 =	seq.s32 s10, $0x1;
	s10 =	sld [smem:$0x3FB8];
	_ =	sdelay $0x3  }
0x34: {  	[smem:$0x3FB8] =	sst s10  }
0x35: {  	s10 =	sld [smem:$0x3FB7];
	_ =	sdelay $0x3  }
0x36: {  	p1 =	seq.s32 s10, $0x1;
	s10 =	sld [smem:$0x3FB8];
	_ =	sdelay $0x3  }
0x37: {  	[smem:$0x3FB8] =	sst s10  }
0x38: {  	s10 =	sld [smem:$0x3FB9]  }
0x39: {  	_ = 	snop;
	(pc) =	sbr.ind lr, $3  }
0x3a: {  	_ = 	snop  }
0x3b: {  	_ = 	snop  }
0x3c: {  	p2 =	seq.s32 s10, $0x1;
	s10 =	sld [smem:$0x3FB8]  }
0x3d: {  	_ =	shalt  }
0x3e: {  	_ =	shalt  }
0x3f: {  	_ =	shalt  }
0x40: {  	_ =	shalt  }
0x41: {  	_ =	shalt  }
0x42: {  	_ =	shalt  }
0x43: {  	_ =	shalt  }
0x44: {  	_ =	shalt  }
0x45: {  	_ =	shalt  }
0x46: {  	_ =	shalt  }
0x47: {  	_ =	shalt  }
0x48: {  	_ =	shalt  }
0x49: {  	_ =	shalt  }
0x4a: {  	_ =	shalt  }
0x4b: {  	_ =	shalt  }
0x4c: {  	_ =	shalt  }
0x4d: {  	_ =	shalt  }
0x4e: {  	_ =	shalt  }
0x4f: {  	_ =	shalt  }
0x50: {  	_ =	shalt  }
0x51: {  	_ =	shalt  }
0x52: {  	_ =	shalt  }
0x53: {  	_ =	shalt  }
0x54: {  	_ =	shalt  }
0x55: {  	_ =	shalt  }
0x56: {  	_ =	shalt  }
0x57: {  	_ =	shalt  }
0x58: {  	_ =	shalt  }
0x59: {  	_ =	shalt  }
0x5a: {  	_ =	shalt  }
0x5b: {  	_ =	shalt  }
0x5c: {  	_ =	shalt  }
0x5d: {  	_ =	shalt  }
0x5e: {  	_ =	shalt  }
0x5f: {  	_ =	shalt  }
0x60: {  	_ =	shalt  }
0x61: {  	_ =	shalt  }
0x62: {  	_ =	shalt  }
0x63: {  	_ =	shalt  }
0x64: {  	_ =	shalt  }
0x65: {  	_ =	shalt  }
0x66: {  	_ =	shalt  }
0x67: {  	_ =	shalt  }
0x68: {  	_ =	shalt  }
0x69: {  	_ =	shalt  }
0x6a: {  	_ =	shalt  }
0x6b: {  	_ =	shalt  }
0x6c: {  	_ =	shalt  }
0x6d: {  	_ =	shalt  }
0x6e: {  	_ =	shalt  }
0x6f: {  	_ =	shalt  }
0x70: {  	_ =	shalt  }
0x71: {  	_ =	shalt  }
0x72: {  	_ =	shalt  }
0x73: {  	_ =	shalt  }
0x74: {  	_ =	shalt  }
0x75: {  	_ =	shalt  }
0x76: {  	_ =	shalt  }
0x77: {  	_ =	shalt  }
0x78: {  	_ =	shalt  }
0x79: {  	_ =	shalt  }
0x7a: {  	_ =	shalt  }
0x7b: {  	_ =	shalt  }
0x7c: {  	_ =	shalt  }
0x7d: {  	_ =	shalt  }
0x7e: {  	_ =	shalt  }
0x7f: {  	_ =	shalt  }
0x80: {  	_ =	shalt  }
0x81: {  	_ =	shalt  }
0x82: {  	_ =	shalt  }
0x83: {  	_ =	shalt  }
0x84: {  	_ =	shalt  }
0x85: {  	_ =	shalt  }
0x86: {  	_ =	shalt  }
0x87: {  	_ =	shalt  }
.Lfunc_end0:
.L_simem_size_0:
called_computation_lowered:
.L_overlay_start_0:
0x88: {  	s2 =	sld [smem:$0x3FD9]  }
0x89: {  	s3 =	sld [smem:$0x3FFE];
	_ =	sdelay $0x1  }
0x8a: {  	s1 =	srdreg.scid  }
0x8b: {  	s0 =	sand.u32 $0x1, s1  }
0x8c: {  	s17 =	sshll.u32 s0, $0xA;
	s2 =	sadd.s32 s3, s2  }
0x8d: {  	s2 =	sadd.s32 s2, s17  }
0x8e: {  	[smem:$0x3FC4] =	sst s2  }
0x8f: {  	_ = 	snop  }
0x90: {  	s2 =	sld [smem:$0x3FD0];
	(tm) =	ssettm $0x1  }
0x91: {  	s18 =	sld [smem:$0x3FFB];
	_ =	sdelay $0x3  }
0x92: {  	_ =	strace s18  }
0x93: {  	s3 =	sld [smem:$0x3FFC];
	_ =	sdelay $0x3  }
0x94: {  	_ =	strace s3  }
0x95: {  	s3 =	sld [smem:$0x3FFD];
	_ =	sdelay $0x3  }
0x96: {  	_ =	strace s3  }
0x97: {  	_ =	strace $0x8FFFFFFF  }
0x98: {  	s19 =	sld [smem:$0x3FDB];
	_ =	sdelay $0x1  }
0x99: {  	s4 =	simm.s32 $_scs_section_size  }
0x9a: {  	s5 =	simm.s32 $_size__tile_overlayer_lowered;
	s6 =	simm.s32 $_tile_overlayer_lowered  }
0x9b: {  	s22 =	simm.s32 $0x1BFF;
	s21 =	sshll.u32 s6, $0x1;
	s3 =	sadd.s32 s4, s19  }
0x9c: {  	s7 =	simm.s32 $0x0;
	s20 =	sshll.u32 s5, $0x1;
	s5 =	sadd.s32 s21, s3  }
0x9d: {  	[timem:s7], [sflag:s22] =	dma.local [hbm:s5], s20  }
0x9e: {  	_ =	swait.ge [sflag:s22], s20  }
0x9f: {  	s4 =	ssub.s32 $0x0, s20;
	[sflag:s22] =	ssyncset.done $0x0  }
0xa0: {  	[sflag:s22] =	ssyncadd.s32 s4;
	_ =	sdelay $0x1  }
0xa1: {  	s23 =	simm.s32 $0x1B8B  }
0xa2: {  	_ =	swait.ge [sflag:s23], $0x1  }
0xa3: {  	[sflag:s23] =	ssyncset.done $0x0  }
0xa4: {  	s25 =	simm.s32 $0x1B8E;
	s24 =	sld [smem:$0x3FFE];
	[sflag:s23] =	ssyncadd.s32 $0xFFFFFFFF  }
0xa5: {  	s26 =	simm.s32 $execute0_lowered;
	[smem:$0x3FD2] =	sst s25  }
0xa6: {  	s5 =	sshll.u32 s26, $0x1;
	_ =	strace $0x80000046;
	[dreg:$0x1] =	wrdreg $0xFFFFFFFF  }
0xa7: {  	s28 =	simm.s32 $_size_execute0_lowered;
	s3 =	sadd.s32 s3, s5;
	[dreg:$0x0] =	wrdreg $0x0  }
0xa8: {  	s5 =	sshll.u32 s28, $0x1;
	[dreg:$0x2] =	wrdreg s3  }
0xa9: {  	[dreg:$0x3] =	wrdreg s5  }
0xaa: {  	[dreg:$0x4] =	wrdreg $0xC0  }
0xab: {  	_ =	task [dreg:s7], $0x5FFFF  }
0xac: {  	[dreg:$0x1] =	wrdreg $0xFFFFFFFF  }
0xad: {  	[dreg:$0x0] =	wrdreg $0x60  }
0xae: {  	[dreg:$0x2] =	wrdreg s24  }
0xaf: {  	[dreg:$0x3] =	wrdreg s2  }
0xb0: {  	[dreg:$0x4] =	wrdreg $0x9  }
0xb1: {  	_ =	task.clear_ibuf [dreg:s7], $0x5FFFF;
	_ =	strace $0x90000046  }
0xb2: {  	s29 =	simm.s32 $0x9;
	_ =	strace $0x80000048  }
0xb3: {  	_ =	swait.ge [sflag:s29], $0x1  }
0xb4: {  	[sflag:s29] =	ssyncadd.s32 $0xFFFFFFFF  }
0xb5: {  	_ =	strace $0x90000048  }
0xb6: {  	_ =	sfence  }
0xb7: {  	s30 =	sld [smem:$0x0];
	_ =	sdelay $0x2  }
0xb8: {  	s31 =	sshll.u32 s1, $0xD;
	s1 =	sshrl.u32 s1, $0x2  }
0xb9: {  	s3 =	sand.u32 $0x4000, s31;
	s1 =	sadd.s32 s1, s30  }
0xba: {  	s0 =	sor.u32 s3, s0;
	s1 =	sshll.u32 s1, $0x11  }
0xbb: {  	s0 =	sor.u32 s1, s0  }
0xbc: {  	s0 =	sadd.s32 $0x8F2B, s0  }
0xbd: {  	[sflag:s0] =	ssyncadd.remote.s32 $0x1  }
0xbe: {  	_ =	sfence.sel $0xFFFF  }
0xbf: {  	[dreg:$0x0] =	wrdreg $0xFFFFFFFF;
	(pc) =	sbr.abs _section_cstart, $3  }
0xc0: {  	[dreg:$0x1] =	wrdreg $0xFFFFFFFF  }
0xc1: {  	_ =	task.clear_ibuf [dreg:s7], $0x2FFFF;
	_ =	strace $0x9FFFFFFF  }
0xc2: {  	(tm) =	ssettm $0x7FFFFFFF  }
0xc3: {  	_ =	shalt  }
tec
execute0_lowered:
.L_overlay_start_1:
0x0: {  	(tag) =	ssettag $0x1  }
0x1: {  	v0 =	vimm.s32 $0xEDCBA987  }
0x2: {  	v1 =	vimm.s32 $0x65432100;
	v3 =	vimm.s32 $0xDCBA9876;
	v4 =	vimm.s32 $0x54321000  }
0x3: {  	v5 =	vimm.s32 $0xBA987654;
	v6 =	vimm.s32 $0xE40000;
	v7 =	vimm.s32 $0x32100000  }
0x4: {  	vm0 =	vmmov $0x3;
	vm1 =	vmmov $0xf;
	v3 =	vunpack.c.l.s4.s8 v3  }
0x5: {  	vm2 =	vcmask $0x3F30;
	v11 =	vimm.s32 $0x1;
	v4 =	vunpack.c.l.s4.s8 v4  }
0x6: {  	v5 =	vunpack.c.l.s4.s8 v5;
	v6 =	vunpack.c.l.s2.s4 v6;
	v3 =	vunpack.c.0.s8.s32 v3  }
0x7: {  	v12 =	vimm.s32 $0x2;
	v7 =	vunpack.c.l.s4.s8 v7;
	v4 =	vunpack.c.0.s8.s32 v4  }
0x8: {  	v8 =	vunpack.c.0.s8.s32 v5;
	v5 =	vunpack.c.l.s4.s8 v6;
	v3 =	vand.u32 $0xF, v3  }
0x9: {  	v13 =	vimm.s32 $0x3;
	v3 =	vcombine.low v4, v3;
	v4 =	vunpack.c.0.s8.s32 v7  }
0xa: {  	v6 =	vand.u32 $0xF, v8;
	v5 =	vunpack.c.0.s8.s32 v5;
	v7 =	vimm.s32 $0x7060504  }
0xb: {  	v9 =	vimm.s32 $0x10FEDCBA;
	v4 =	vcombine.low v4, v6;
	v6 =	vunpack.c.0.s8.s32 v7  }
0xc: {  	v10 =	vimm.s32 $0x98765432;
	v19 =	vimm.s32 $0x3210FEDC;
	v5 =	vand.u32 $0x3, v5  }
0xd: {  	v7 =	vimm.s32 $0x87654321;
	v5 =	vsel vm2, v6, v5;
	v6 =	vimm.s32 $0xFEDCBA9  }
0xe: {  	v20 =	vimm.s32 $0xFEDCBA98;
	v7 =	vunpack.c.l.s4.s8 v7;
	v6 =	vunpack.c.l.s4.s8 v6  }
0xf: {  	v0 =	vunpack.c.l.s4.s8 v0;
	v9 =	vunpack.c.l.s4.s8 v9;
	v10 =	vunpack.c.l.s4.s8 v10  }
0x10: {  	s1 =	srdreg.scid;
	s0 =	stileid.u32;
	v1 =	vunpack.c.l.s4.s8 v1;
	v7 =	vunpack.c.0.s8.s32 v7;
	v6 =	vunpack.c.0.s8.s32 v6  }
0x11: {  	s1 =	sand.u32 $0x1, s1;
	s2 =	sshll.u32 s0, $0x1;
	v2 =	vunpack.c.0.s8.s32 v0;
	v9 =	vunpack.c.0.s8.s32 v9;
	v10 =	vunpack.c.0.s8.s32 v10  }
0x12: {  	s4 =	rddreg [dreg:$0x0];
	v19 =	vunpack.c.l.s4.s8 v19;
	s8 =	sor.u32 s1, s2;
	s2 =	simm.s32 $0x0;
	v1 =	vunpack.c.0.s8.s32 v1;
	v6 =	vcombine.low v7, v6  }
0x13: {  	v21 =	vimm.s32 $0x76543210;
	[smem:$0x7FF] =	sst s2;
	v2 =	vand.u32 $0xF, v2;
	v9 =	vcombine.low v10, v9  }
0x14: {  	s7 =	rddreg [dreg:$0x1];
	v20 =	vunpack.c.l.s4.s8 v20;
	_ =	strace $0x80000047;
	v1 =	vcombine.low v1, v2;
	[tilespmem:$0x1FF80] =	vst v6;
	v6 =	vunpack.c.0.s8.s32 v19  }
0x15: {  	v14 =	vimm.s32 $0x4;
	v15 =	vimm.s32 $0x5;
	s10 =	simm.s32 $0x3F0;
	s11 =	simm.s32 $0x460;
	v21 =	vunpack.c.l.s4.s8 v21;
	[tilespmem:$0x1FF90] =	vst v9  }
0x16: {  	v16 =	vimm.s32 $0x6;
	s12 =	simm.s32 $0x2060;
	s13 =	simm.s32 $0x11C60;
	s3 =	smul.u32 $0x7E, s8;
	[tilespmem:$0x1FFC0] =	vst v1;
	v7 =	vunpack.c.0.s8.s32 v20;
	v6 =	vcombine.low v8, v6  }
0x17: {  	v17 =	vimm.s32 $0x7;
	v18 =	vimm.s32 $0x8;
	s14 =	simm.s32 $0x120A0;
	s1 =	ssub.s32 $0x2, s1;
	s5 =	smul.u32 $0xE, s8;
	v9 =	vunpack.c.0.s8.s32 v21;
	[tilespmem:$0x1FFD0] =	vst v3  }
0x18: {  	v22 =	vimm.s32 $0x9;
	v24 =	vimm.s32 $0xA;
	s15 =	simm.s32 $0x0;
	s31 =	sshrl.u32 s1, $0x1;
	s7 =	sadd.s32 s7, s8;
	[tilespmem:$0x1FFA0] =	vst v6;
	v6 =	vand.u32 $0xF, v7  }
0x19: {  	v61 =	vimm.s32 $0xB;
	v62 =	vimm.s32 $0xC;
	s1 =	ssub.s32 s1, s31;
	s6 =	sadd.s32 s3, s4;
	s9 =	sadd.s32 s5, s4;
	[tilespmem:$0x1FFE0] =	vst v4;
	v6 =	vcombine.low v6, v9  }
0x1a: {  	v63 =	vimm.s32 $0xE;
	vm3 =	vmmov $0x1;
	v0 =	vimm.s32 $0x0;
	s3 =	sadd.s32 $0x4000, s4;
	s4 =	sadd.s32 $0x1000, s4;
	s8 =	smax.u32 s1, $0x1;
	[tilespmem:$0x1FFF0] =	vst v5  }
0x1b: {  	v2 =	vlaneseq.u32;
	s5 =	sadd.s32 $0x3000, s6;
	s6 =	sadd.s32 $0x4400, s9;
	s9 =	simm.s32 $0x1;
	vm2 =	vmmov $0xff;
	v20 =	vimm.s32 $0xD;
	[tilespmem:$0x1FFB0] =	vst v6  }
.LBB2_1:
0x1c: {  	[tilespmem:s2], [sflag:$0x1] =	stream.linear.gather [hbm4b:s5+s2], $0x3F0, $0x38;
	[tilespmem:$0x120B0] =	vst v63  }
0x1d: {  	_ =	swait.ge [sflag:s9], $0x3F0  }
0x1e: {  	[sflag:s9] =	ssyncset.done $0x0  }
0x1f: {  	[sflag:s9] =	ssyncadd.s32 $0xFFFFFC10  }
0x20: {  	[tilespmem:s10], [sflag:$0x1] =	stream.linear.gather [hbm4b:s6+s2], $0x70, $0x38;
	[tilespmem:$0x120B0] =	vst v63  }
0x21: {  	_ =	swait.ge [sflag:s9], $0x70  }
0x22: {  	[sflag:s9] =	ssyncset.done $0x0  }
0x23: {  	[sflag:s9] =	ssyncadd.s32 $0xFFFFFF90  }
0x24: {  	[tilespmem:s11], [sflag:$0x1] =	stream.linear.gather [hbm4b:s3+s2], $0x1C00, $0x38;
	[tilespmem:$0x120B0] =	vst v63  }
0x25: {  	_ =	swait.ge [sflag:s9], $0x1C00  }
0x26: {  	[sflag:s9] =	ssyncset.done $0x0  }
0x27: {  	[sflag:s9] =	ssyncadd.s32 $0xFFFFE400  }
0x28: {  	[tilespmem:s12], [sflag:$0x1] =	stream.linear.gather [hbm4b:s4+s2], $0xFC00, $0x38;
	[tilespmem:$0x120B0] =	vst v63  }
0x29: {  	_ =	swait.ge [sflag:s9], $0xFC00  }
0x2a: {  	[sflag:s9] =	ssyncset.done $0x0  }
0x2b: {  	[sflag:s9] =	ssyncadd.s32 $0xFFFF0400  }
0x2c: {  	s17 =	simm.s32 $0x10;
	v19 =	vimm.s32 $0x0;
	v6 =	vimm.s32 $0x0;
	s16 =	simm.s32 $0x0;
	s18 =	simm.s32 $0x0;
	v7 =	vld [tilespmem:s2+$0x0]  }
.LBB2_2:
0x2d: {  	p0 =	sne.s32 s17, $0x3E0;
	_ =	sdelay $0x3  }
0x2e: {  	vm5 =	vne.s32 v7, $0x0  }
0x2f: {  	v7 =	vsel vm5, $0x1, v0;
	v8 =	vmpcnt.ones.xlane vm5  }
0x30: {  	v9 =	vperm.xlane v7, v1  }
0x31: {  	vm4 =	veq.s32 v2, $0x0;
	v19 =	vadd.s32 v19, v8  }
0x32: {  	v8 =	vsel vm4, $0x0, v9  }
0x33: {  	v7 =	vadd.s32 v7, v8  }
0x34: {  	v8 =	vperm.xlane v7, v3;
	_ =	sdelay $0x1  }
0x35: {  	v8 =	vsel vm0, $0x0, v8  }
0x36: {  	v7 =	vadd.s32 v8, v7  }
0x37: {  	v8 =	vperm.xlane v7, v4;
	_ =	sdelay $0x1  }
0x38: {  	v8 =	vsel vm1, $0x0, v8  }
0x39: {  	v7 =	vadd.s32 v8, v7  }
0x3a: {  	v8 =	vperm.xlane v7, v5;
	_ =	sdelay $0x1  }
0x3b: {  	v8 =	vsel vm2, $0x0, v8  }
0x3c: {  	v8 =	vadd.s32 v8, v6;
	v6 =	vmov v19  }
0x3d: {  	v7 =	vadd.s32 v7, v8  }
0x3e: {  	v7 =	vadd.s32 $0xFFFFFFFF, v7  }
0x3f: {  	v7 =	vnsel vm5, $0x430, v7;
	_ =	sdelay $0x1  }
.Ltmp0:
0x40: {  	(pc) =	sbr.rel @p0 .LBB2_2-.Ltmp0, $4  }
0x41: {  	_ = 	snop  }
0x42: {  	v8 =	vor.u32 s16, v2;
	s16 =	smov.u32 s17  }
0x43: {  	s18 =	sadd.s32 $0x10, s18;
	[tilespmem:v7+s13+$0x0] =	vst.idx.msk $0xffff, v8  }
0x44: {  	s17 =	sadd.s32 $0x10, s17;
	v7 =	vld [tilespmem:s18+$0x0]  }
0x45: {  	_ =	sdelay $0x3  }
0x46: {  	vm5 =	vne.s32 v7, $0x0  }
0x47: {  	v7 =	vmpcnt.ones.xlane vm5;
	_ =	sdelay $0x1  }
0x48: {  	v7 =	vadd.s32 v19, v7  }
0x49: {  	(v2sf) =	vpush v7, $0x0;
	_ =	sdelay $0x2  }
0x4a: {  	v8 =	vsel vm5, $0x1, v0  }
0x4b: {  	v9 =	vperm.xlane v8, v1;
	_ =	sdelay $0x1  }
0x4c: {  	v58 =	vsel vm4, $0x0, v9  }
0x4d: {  	v7 =	vadd.s32 v8, v58  }
0x4e: {  	v8 =	vperm.xlane v7, v3;
	_ =	sdelay $0x1  }
0x4f: {  	v8 =	vsel vm0, $0x0, v8  }
0x50: {  	v7 =	vadd.s32 v8, v7  }
0x51: {  	v8 =	vperm.xlane v7, v4;
	_ =	sdelay $0x1  }
0x52: {  	v8 =	vsel vm1, $0x0, v8  }
0x53: {  	v7 =	vadd.s32 v8, v7;
	s1 =	spop (v2sf)  }
0x54: {  	v8 =	vperm.xlane v7, v5;
	s17 =	sadd.s32 $0xF, s1  }
0x55: {  	s18 =	sand.u32 $0xF, s17  }
0x56: {  	v8 =	vsel vm2, $0x0, v8;
	s31 =	sshra.s32 s17, $0x1F;
	p1 =	slt.s32 s17, $0x1;
	p0 =	sne.s32 s18, $0x0  }
0x57: {  	v6 =	vadd.s32 v8, v6;
	s18 =	sshrl.u32 s31, $0x1C;
	p0 =	por !p1, !p0  }
0x58: {  	v6 =	vadd.s32 v7, v6;
	s17 =	sadd.s32 s18, s17;
	s18 =	simm.s32 $0x1;
	p0 =	por !p0, !p0  }
0x59: {  	v6 =	vadd.s32 $0xFFFFFFFF, v6;
	s17 =	sshra.s32 s17, $0x4;
	s18 =	simm.s32 @!p0 $0x0  }
0x5a: {  	v6 =	vnsel vm5, $0x430, v6;
	s24 =	ssub.s32 s17, s18  }
0x5b: {  	p0 =	slt.s32 s24, $0x1  }
.Ltmp1:
0x5c: {  	_ = 	snop;
	(pc) =	sbr.rel @p0 .LBB2_4-.Ltmp1, $4  }
0x5d: {  	_ = 	snop  }
0x5e: {  	v59 =	vor.u32 s16, v2  }
0x5f: {  	v60 =	vimm.s32 $0x3EF;
	[tilespmem:v6+s13+$0x0] =	vst.idx.msk $0xffff, v59  }
0x60: {  	v26 =	vimm.f32 $0.0e+00;
	s20 =	simm.s32 $0x11C60;
	[tilespmem:s1+$0x11C60] =	vst v60  }
0x61: {  	v6 =	vld [tilespmem:s20+$0x0];
	_ =	sdelay $0x4  }
0x62: {  	v36 =	vshll.u32 v6, $0x6  }
0x63: {  	(v2sf) =	vpush v36, $0xE;
	_ =	sdelay $0x2  }
0x64: {  	(v2sf) =	vpush v36, $0xF;
	_ =	sdelay $0x1  }
0x65: {  	(v2sf) =	vpush v36, $0xD  }
0x66: {  	(v2sf) =	vpush v36, $0xA  }
0x67: {  	(v2sf) =	vpush v36, $0xB  }
0x68: {  	(v2sf) =	vpush v36, $0x4  }
0x69: {  	(v2sf) =	vpush v36, $0x7  }
0x6a: {  	(v2sf) =	vpush v36, $0x9  }
0x6b: {  	(v2sf) =	vpush v36, $0x6  }
0x6c: {  	(v2sf) =	vpush v36, $0x5  }
0x6d: {  	(v2sf) =	vpush v36, $0x1  }
0x6e: {  	(v2sf) =	vpush v36, $0x3  }
0x6f: {  	s16 =	spop (v2sf);
	(v2sf) =	vpush v36, $0x0;
	_ =	sdelay $0x2  }
0x70: {  	v27 =	vld [tilespmem:s16+$0x2060];
	s17 =	spop (v2sf)  }
0x71: {  	v30 =	vld [tilespmem:s17+$0x2090]  }
0x72: {  	s18 =	spop (v2sf);
	v28 =	vld [tilespmem:s17+$0x2070]  }
0x73: {  	(v2sf) =	vpush v36, $0x2;
	s19 =	spop (v2sf);
	v32 =	vld [tilespmem:s18+$0x2090]  }
0x74: {  	v33 =	vld [tilespmem:s18+$0x2070];
	s23 =	spop (v2sf)  }
0x75: {  	v29 =	vld [tilespmem:s19+$0x2070];
	s28 =	spop (v2sf)  }
0x76: {  	v39 =	vld [tilespmem:s23+$0x2090];
	s22 =	spop (v2sf)  }
0x77: {  	v31 =	vld [tilespmem:s28+$0x2090];
	s21 =	spop (v2sf)  }
0x78: {  	v44 =	vld [tilespmem:s28+$0x2070];
	s26 =	spop (v2sf)  }
0x79: {  	v6 =	vld [tilespmem:s28+$0x2080];
	s25 =	spop (v2sf)  }
0x7a: {  	v41 =	vld [tilespmem:s21+$0x2070];
	s31 =	spop (v2sf)  }
0x7b: {  	v42 =	vld [tilespmem:s21+$0x2090];
	s29 =	spop (v2sf)  }
0x7c: {  	v46 =	vld [tilespmem:s26+$0x2070];
	s30 =	spop (v2sf);
	(v2sf) =	vpush v36, $0x8  }
0x7d: {  	p0 =	sne.s32 s24, $0x1;
	v23 =	vld [tilespmem:s25+$0x2090]  }
.Ltmp2:
0x7e: {  	v38 =	vld [tilespmem:s25+$0x2080];
	(pc) =	sbr.rel @!p0 .LBB2_7-.Ltmp2, $4  }
0x7f: {  	v21 =	vld [tilespmem:s31+$0x2080]  }
0x80: {  	v47 =	vimm.f32 $0.0e+00;
	v43 =	vimm.f32 $0.0e+00;
	v48 =	vld [tilespmem:s29+$0x2070]  }
0x81: {  	v37 =	vimm.f32 $0.0e+00;
	v35 =	vimm.f32 $0.0e+00;
	v19 =	vimm.f32 $0.0e+00;
	v45 =	vld [tilespmem:s29+$0x2060]  }
0x82: {  	s24 =	sadd.s32 $0xFFFFFFFF, s24;
	v34 =	vimm.f32 $0.0e+00;
	v40 =	vimm.f32 $0.0e+00;
	v1 =	vimm.s32 $0xF;
	v49 =	vld [tilespmem:s30+$0x2090];
	s1 =	spop (v2sf)  }
.LBB2_6:
0x83: {  	p0 =	sne.s32 s24, $0x1;
	s24 =	sadd.s32 $0xFFFFFFFF, s24;
	v7 =	vld [tilespmem:s1+$0x2070];
	s20 =	sadd.s32 $0x10, s20  }
0x84: {  	v8 =	vld [tilespmem:s30+$0x2070]  }
0x85: {  	v9 =	vld [tilespmem:s31+$0x2090]  }
0x86: {  	v10 =	vld [tilespmem:s1+$0x2080]  }
0x87: {  	v25 =	vld [tilespmem:s30+$0x2080]  }
0x88: {  	v50 =	vld [tilespmem:s31+$0x2070]  }
0x89: {  	v8 =	vadd.f32 v8, v26;
	v26 =	vld [tilespmem:s1+$0x2060];
	(v2sf) =	vpush v36, $0xC  }
0x8a: {  	v36 =	vld [tilespmem:s31+$0x2060]  }
0x8b: {  	v7 =	vadd.f32 v7, v8;
	v8 =	vld [tilespmem:s1+$0x2090];
	s31 =	spop (v2sf)  }
0x8c: {  	v43 =	vadd.f32 v49, v43;
	v25 =	vadd.f32 v25, v47;
	v47 =	vld [tilespmem:s31+$0x2090]  }
0x8d: {  	v9 =	vadd.f32 v9, v37;
	v37 =	vld [tilespmem:s29+$0x2090];
	v7 =	vadd.f32 v44, v7  }
0x8e: {  	v10 =	vadd.f32 v10, v25;
	v25 =	vld [tilespmem:s22+$0x2070]  }
0x8f: {  	v35 =	vadd.f32 v50, v35;
	v44 =	vld [tilespmem:s25+$0x2070];
	v7 =	vadd.f32 v46, v7  }
0x90: {  	v46 =	vld [tilespmem:s30+$0x2060];
	v8 =	vadd.f32 v8, v43;
	v6 =	vadd.f32 v6, v10  }
0x91: {  	v10 =	vadd.f32 v36, v19;
	v19 =	vadd.f32 v48, v35;
	v35 =	vld [tilespmem:s22+$0x2090]  }
0x92: {  	v9 =	vadd.f32 v37, v9;
	v43 =	vld [tilespmem:s23+$0x2060]  }
0x93: {  	v10 =	vadd.f32 v45, v10;
	v36 =	vld [tilespmem:s28+$0x2060]  }
0x94: {  	v19 =	vadd.f32 v44, v19;
	v9 =	vadd.f32 v23, v9;
	v23 =	vld [tilespmem:s18+$0x2060]  }
0x95: {  	v34 =	vadd.f32 v46, v34;
	v37 =	vld [tilespmem:s23+$0x2070]  }
0x96: {  	v44 =	vld [tilespmem:s26+$0x2060];
	v19 =	vadd.f32 v25, v19;
	v9 =	vadd.f32 v35, v9  }
0x97: {  	v25 =	vadd.f32 v26, v34;
	v26 =	vld [tilespmem:s29+$0x2080]  }
0x98: {  	v34 =	vld [tilespmem:s31+$0x2060];
	v19 =	vadd.f32 v41, v19;
	v9 =	vadd.f32 v42, v9;
	s28 =	spop (v2sf)  }
0x99: {  	v21 =	vadd.f32 v21, v40;
	v25 =	vadd.f32 v36, v25;
	v40 =	vld [tilespmem:s28+$0x2060]  }
0x9a: {  	v36 =	vld [tilespmem:s22+$0x2080];
	v19 =	vadd.f32 v37, v19;
	v9 =	vadd.f32 v39, v9  }
0x9b: {  	v25 =	vadd.f32 v44, v25;
	v39 =	vld [tilespmem:s19+$0x2060]  }
0x9c: {  	v41 =	vld [tilespmem:s31+$0x2070];
	v19 =	vadd.f32 v33, v19;
	v9 =	vadd.f32 v32, v9  }
0x9d: {  	v21 =	vadd.f32 v26, v21;
	v32 =	vld [tilespmem:s20+$0x0]  }
0x9e: {  	v25 =	vadd.f32 v34, v25;
	v26 =	vld [tilespmem:s26+$0x2080];
	v35 =	vadd.f32 v28, v19  }
0x9f: {  	v19 =	vadd.f32 v38, v21;
	v37 =	vadd.f32 v30, v9;
	v21 =	vld [tilespmem:s21+$0x2080]  }
0xa0: {  	v9 =	vld [tilespmem:s31+$0x2080];
	v25 =	vadd.f32 v39, v25  }
0xa1: {  	v19 =	vadd.f32 v36, v19;
	v7 =	vadd.f32 v41, v7;
	v28 =	vld [tilespmem:s23+$0x2080]  }
0xa2: {  	v8 =	vadd.f32 v31, v8;
	v36 =	vshll.u32 v32, $0x6;
	v30 =	vld [tilespmem:s19+$0x2080];
	v25 =	vadd.f32 v40, v25  }
0xa3: {  	(v2sf) =	vpush v36, $0xE;
	v6 =	vadd.f32 v26, v6;
	v26 =	vld [tilespmem:s26+$0x2090]  }
0xa4: {  	(v2sf) =	vpush v36, $0xF;
	v31 =	vld [tilespmem:s25+$0x2060];
	v19 =	vadd.f32 v21, v19  }
0xa5: {  	v34 =	vadd.f32 v27, v25;
	(v2sf) =	vpush v36, $0xD;
	v21 =	vld [tilespmem:s16+$0x2080]  }
0xa6: {  	(v2sf) =	vpush v36, $0xA;
	v19 =	vadd.f32 v28, v19;
	v25 =	vld [tilespmem:s28+$0x2090]  }
0xa7: {  	v7 =	vadd.f32 v29, v7;
	(v2sf) =	vpush v36, $0xB;
	v27 =	vld [tilespmem:s22+$0x2060]  }
0xa8: {  	(v2sf) =	vpush v36, $0x4;
	v8 =	vadd.f32 v26, v8;
	v26 =	vld [tilespmem:s19+$0x2090]  }
0xa9: {  	v6 =	vadd.f32 v9, v6;
	(v2sf) =	vpush v36, $0x7;
	v9 =	vld [tilespmem:s21+$0x2060]  }
0xaa: {  	v10 =	vadd.f32 v31, v10;
	(v2sf) =	vpush v36, $0x9;
	v28 =	vld [tilespmem:s18+$0x2080]  }
0xab: {  	v8 =	vadd.f32 v47, v8;
	(v2sf) =	vpush v36, $0x6;
	v29 =	vld [tilespmem:s17+$0x2080]  }
0xac: {  	(v2sf) =	vpush v36, $0x5;
	v10 =	vadd.f32 v27, v10;
	v27 =	vld [tilespmem:s16+$0x2090]  }
0xad: {  	(v2sf) =	vpush v36, $0x1;
	v8 =	vadd.f32 v26, v8;
	v26 =	vld [tilespmem:s28+$0x2070]  }
0xae: {  	(v2sf) =	vpush v36, $0x3;
	v9 =	vadd.f32 v9, v10;
	v10 =	vld [tilespmem:s28+$0x2080]  }
0xaf: {  	v8 =	vadd.f32 v25, v8;
	v19 =	vadd.f32 v28, v19;
	v25 =	vld [tilespmem:s16+$0x2070]  }
0xb0: {  	(v2sf) =	vpush v36, $0x0;
	v9 =	vadd.f32 v43, v9;
	v31 =	vld [tilespmem:s17+$0x2060]  }
0xb1: {  	v6 =	vadd.f32 v30, v6;
	(v2sf) =	vpush v36, $0x2  }
0xb2: {  	v43 =	vadd.f32 v27, v8;
	s16 =	spop (v2sf);
	v7 =	vadd.f32 v26, v7  }
0xb3: {  	v8 =	vadd.f32 v23, v9;
	v27 =	vld [tilespmem:s16+$0x2060];
	s17 =	spop (v2sf);
	v6 =	vadd.f32 v10, v6  }
0xb4: {  	v40 =	vadd.f32 v29, v19;
	v30 =	vld [tilespmem:s17+$0x2090];
	s18 =	spop (v2sf);
	v26 =	vadd.f32 v25, v7  }
0xb5: {  	v28 =	vld [tilespmem:s17+$0x2070];
	s19 =	spop (v2sf);
	v47 =	vadd.f32 v21, v6;
	v19 =	vadd.f32 v31, v8  }
0xb6: {  	v29 =	vld [tilespmem:s19+$0x2070];
	s23 =	spop (v2sf)  }
0xb7: {  	v32 =	vld [tilespmem:s18+$0x2090];
	s28 =	spop (v2sf)  }
0xb8: {  	v33 =	vld [tilespmem:s18+$0x2070];
	s22 =	spop (v2sf)  }
0xb9: {  	v31 =	vld [tilespmem:s28+$0x2090];
	s21 =	spop (v2sf)  }
0xba: {  	v44 =	vld [tilespmem:s28+$0x2070];
	s26 =	spop (v2sf)  }
0xbb: {  	v6 =	vld [tilespmem:s28+$0x2080];
	s25 =	spop (v2sf)  }
0xbc: {  	v39 =	vld [tilespmem:s23+$0x2090];
	s31 =	spop (v2sf)  }
0xbd: {  	v41 =	vld [tilespmem:s21+$0x2070];
	s29 =	spop (v2sf)  }
0xbe: {  	v42 =	vld [tilespmem:s21+$0x2090]  }
0xbf: {  	v46 =	vld [tilespmem:s26+$0x2070];
	s30 =	spop (v2sf);
	(v2sf) =	vpush v36, $0x8  }
0xc0: {  	v23 =	vld [tilespmem:s25+$0x2090];
	s1 =	spop (v2sf)  }
.Ltmp3:
0xc1: {  	v38 =	vld [tilespmem:s25+$0x2080];
	(pc) =	sbr.rel @p0 .LBB2_6-.Ltmp3, $4  }
0xc2: {  	v48 =	vld [tilespmem:s29+$0x2070]  }
0xc3: {  	v49 =	vld [tilespmem:s30+$0x2090]  }
0xc4: {  	v45 =	vld [tilespmem:s29+$0x2060]  }
0xc5: {  	v21 =	vld [tilespmem:s31+$0x2080]  }
.LBB2_7:
0xc6: {  	v7 =	vld [tilespmem:s1+$0x2070]  }
0xc7: {  	v8 =	vld [tilespmem:s30+$0x2070]  }
0xc8: {  	v9 =	vld [tilespmem:s31+$0x2090]  }
0xc9: {  	v10 =	vld [tilespmem:s1+$0x2080]  }
0xca: {  	v25 =	vld [tilespmem:s30+$0x2080]  }
0xcb: {  	v50 =	vld [tilespmem:s31+$0x2070]  }
0xcc: {  	v51 =	vld [tilespmem:s1+$0x2060]  }
0xcd: {  	(v2sf) =	vpush v36, $0xC;
	v36 =	vld [tilespmem:s31+$0x2060]  }
0xce: {  	v52 =	vld [tilespmem:s1+$0x2090]  }
0xcf: {  	v54 =	vld [tilespmem:s29+$0x2090]  }
0xd0: {  	v55 =	vld [tilespmem:s22+$0x2070]  }
0xd1: {  	v56 =	vld [tilespmem:s25+$0x2070]  }
0xd2: {  	v57 =	vld [tilespmem:s30+$0x2060]  }
0xd3: {  	v58 =	vld [tilespmem:s22+$0x2090]  }
0xd4: {  	v59 =	vld [tilespmem:s23+$0x2060]  }
0xd5: {  	v60 =	vld [tilespmem:s18+$0x2060]  }
0xd6: {  	v43 =	vadd.f32 v49, v43;
	v49 =	vld [tilespmem:s25+$0x2060]  }
0xd7: {  	v8 =	vadd.f32 v8, v26;
	v26 =	vld [tilespmem:s28+$0x2060]  }
0xd8: {  	v25 =	vadd.f32 v25, v47;
	v47 =	vld [tilespmem:s26+$0x2060]  }
0xd9: {  	v19 =	vadd.f32 v36, v19;
	v43 =	vadd.f32 v52, v43;
	v52 =	vld [tilespmem:s19+$0x2060]  }
0xda: {  	v7 =	vadd.f32 v7, v8;
	v8 =	vld [tilespmem:s23+$0x2070]  }
0xdb: {  	v35 =	vadd.f32 v50, v35;
	v19 =	vadd.f32 v45, v19;
	v45 =	vld [tilespmem:s23+$0x2080];
	s31 =	spop (v2sf)  }
0xdc: {  	v9 =	vadd.f32 v9, v37;
	v10 =	vadd.f32 v10, v25;
	v53 =	vld [tilespmem:s31+$0x2090]  }
0xdd: {  	v35 =	vadd.f32 v48, v35;
	v7 =	vadd.f32 v44, v7;
	v44 =	vld [tilespmem:s29+$0x2080]  }
0xde: {  	v21 =	vadd.f32 v21, v40;
	v9 =	vadd.f32 v54, v9;
	v25 =	vld [tilespmem:s31+$0x2060]  }
0xdf: {  	v6 =	vadd.f32 v6, v10;
	v10 =	vadd.f32 v56, v35;
	v54 =	vld [tilespmem:s31+$0x2070]  }
0xe0: {  	v9 =	vadd.f32 v23, v9;
	v23 =	vadd.f32 v57, v34;
	v56 =	vld [tilespmem:s26+$0x2080]  }
0xe1: {  	v57 =	vld [tilespmem:s21+$0x2080];
	v7 =	vadd.f32 v46, v7;
	v10 =	vadd.f32 v55, v10  }
0xe2: {  	v46 =	vld [tilespmem:s22+$0x2080];
	v9 =	vadd.f32 v58, v9;
	v23 =	vadd.f32 v51, v23  }
0xe3: {  	v19 =	vadd.f32 v49, v19;
	v58 =	vld [tilespmem:s31+$0x2080];
	v10 =	vadd.f32 v41, v10  }
0xe4: {  	v55 =	vld [tilespmem:s17+$0x2060];
	v9 =	vadd.f32 v42, v9;
	v23 =	vadd.f32 v26, v23  }
0xe5: {  	v7 =	vadd.f32 v54, v7;
	v54 =	vld [tilespmem:s17+$0x2080];
	v8 =	vadd.f32 v8, v10  }
0xe6: {  	s20 =	spop (v2sf);
	v10 =	vld [tilespmem:s19+$0x2080];
	v9 =	vadd.f32 v39, v9;
	v23 =	vadd.f32 v47, v23  }
0xe7: {  	v21 =	vadd.f32 v44, v21;
	v37 =	vld [tilespmem:s20+$0x2060];
	v8 =	vadd.f32 v33, v8  }
0xe8: {  	v47 =	vld [tilespmem:s26+$0x2090];
	v9 =	vadd.f32 v32, v9;
	v23 =	vadd.f32 v25, v23  }
0xe9: {  	v6 =	vadd.f32 v56, v6;
	v50 =	vld [tilespmem:s20+$0x2090];
	v28 =	vadd.f32 v28, v8  }
0xea: {  	v26 =	vadd.f32 v30, v9;
	v9 =	vadd.f32 v52, v23;
	v23 =	vld [tilespmem:s22+$0x2060]  }
0xeb: {  	v8 =	vadd.f32 v38, v21;
	v21 =	vadd.f32 v31, v43;
	v30 =	vld [tilespmem:s19+$0x2090]  }
0xec: {  	v7 =	vadd.f32 v29, v7;
	v31 =	vld [tilespmem:s21+$0x2060];
	v9 =	vadd.f32 v37, v9  }
0xed: {  	v29 =	vld [tilespmem:s20+$0x2080];
	v6 =	vadd.f32 v58, v6;
	v51 =	vadd.f32 v47, v21  }
0xee: {  	v52 =	vld [tilespmem:s18+$0x2080];
	v8 =	vadd.f32 v46, v8;
	v2 =	vadd.f32 v27, v9  }
0xef: {  	v9 =	vadd.f32 v53, v51;
	v19 =	vadd.f32 v23, v19;
	v23 =	vld [tilespmem:s20+$0x2070]  }
0xf0: {  	v6 =	vadd.f32 v10, v6;
	v8 =	vadd.f32 v57, v8;
	v27 =	vld [tilespmem:s16+$0x2090]  }
0xf1: {  	v25 =	vld [tilespmem:s16+$0x2080];
	v9 =	vadd.f32 v30, v9;
	v19 =	vadd.f32 v31, v19  }
0xf2: {  	v6 =	vadd.f32 v29, v6;
	v8 =	vadd.f32 v45, v8;
	v30 =	vld [tilespmem:s16+$0x2070]  }
.Ltmp4:
0xf3: {  	v9 =	vadd.f32 v50, v9;
	v19 =	vadd.f32 v59, v19;
	(pc) =	sbr.rel .LBB2_8-.Ltmp4, $4  }
0xf4: {  	v8 =	vadd.f32 v52, v8;
	v7 =	vadd.f32 v23, v7  }
0xf5: {  	v57 =	vadd.f32 v27, v9;
	v9 =	vadd.f32 v60, v19  }
0xf6: {  	v35 =	vadd.f32 v25, v6;
	v31 =	vadd.f32 v54, v8  }
0xf7: {  	v36 =	vadd.f32 v30, v7;
	v32 =	vadd.f32 v55, v9  }
.LBB2_4:
0xf8: {  	v31 =	vimm.f32 $0.0e+00;
	v28 =	vimm.f32 $0.0e+00  }
0xf9: {  	v32 =	vimm.f32 $0.0e+00;
	v57 =	vimm.f32 $0.0e+00;
	v35 =	vimm.f32 $0.0e+00  }
0xfa: {  	v36 =	vimm.f32 $0.0e+00;
	v2 =	vimm.f32 $0.0e+00;
	v1 =	vimm.s32 $0xF  }
.LBB2_8:
0xfb: {  	s16 =	simm.s32 $0x660  }
0xfc: {  	v6 =	vld [tilespmem:s16+$0x180]  }
0xfd: {  	v7 =	vld [tilespmem:s16+$0x190]  }
0xfe: {  	v8 =	vld [tilespmem:s16+$0x1A0]  }
0xff: {  	v9 =	vld [tilespmem:s16+$0x1B0]  }
0x100: {  	v3 =	vld [tilespmem:s16+$0x1C0]  }
0x101: {  	v25 =	vld [tilespmem:s16+$0x1D0]  }
0x102: {  	v19 =	vld [tilespmem:s16+$0x100]  }
0x103: {  	v38 =	vld [tilespmem:s16+$0x110]  }
0x104: {  	v39 =	vld [tilespmem:s16+$0x120]  }
0x105: {  	s1 =	simm.s32 $0x0;
	v40 =	vld [tilespmem:s16+$0x130]  }
0x106: {  	v44 =	vld [tilespmem:s1+$0x3F0]  }
0x107: {  	v4 =	vld [tilespmem:s16+$0x150]  }
0x108: {  	v46 =	vld [tilespmem:s16+$0x80]  }
0x109: {  	v52 =	vld [tilespmem:s16+$0x90]  }
0x10a: {  	v53 =	vld [tilespmem:s16+$0xA0]  }
0x10b: {  	v54 =	vld [tilespmem:s16+$0xB0]  }
0x10c: {  	v5 =	vld [tilespmem:s16+$0xC0];
	v37 =	vperm.xlane v44, v63  }
0x10d: {  	v56 =	vld [tilespmem:s16+$0x0];
	v27 =	vperm.xlane v44, v1;
	v48 =	vperm.xlane v44, v62  }
0x10e: {  	v21 =	vld [tilespmem:s16+$0x20];
	v29 =	vperm.xlane v44, v20;
	v59 =	vperm.xlane v44, v24  }
0x10f: {  	v45 =	vld [tilespmem:s16+$0x30];
	v30 =	vperm.xlane v44, v61;
	v63 =	vperm.xlane v44, v18  }
0x110: {  	v10 =	vld [tilespmem:s16+$0xFFFFFF00];
	v33 =	vperm.xlane v44, v22;
	v23 =	vperm.xlane v44, v16  }
0x111: {  	[tilespmem:$0x1FF70] =	vst v3;
	v3 =	vld [tilespmem:s16+$0x140];
	v34 =	vperm.xlane v44, v17;
	v51 =	vperm.xlane v44, v12  }
0x112: {  	v62 =	vld [tilespmem:s16+$0x10];
	v55 =	vperm.xlane v44, v0;
	v42 =	vmul.f32 v6, v37  }
0x113: {  	v12 =	vld [tilespmem:s16+$0xFFFFFE20];
	v43 =	vmul.f32 v7, v37;
	v41 =	vmul.f32 v8, v37  }
0x114: {  	v7 =	vld [tilespmem:s16+$0xFFFFFE80];
	v37 =	vmul.f32 v9, v37;
	v49 =	vmul.f32 v19, v48  }
0x115: {  	v8 =	vld [tilespmem:s16+$0xFFFFFE00];
	v50 =	vmul.f32 v38, v48;
	v47 =	vmul.f32 v39, v48  }
0x116: {  	v9 =	vld [tilespmem:s16+$0xFFFFFE10];
	v48 =	vmul.f32 v40, v48;
	v61 =	vmul.f32 v52, v59  }
0x117: {  	v52 =	vld [tilespmem:s16+$0xFFFFFE30];
	v58 =	vmul.f32 v53, v59;
	v53 =	vperm.xlane v44, v14  }
0x118: {  	v60 =	vmul.f32 v46, v59;
	v40 =	vld [tilespmem:s16+$0xFFFFFE90];
	v59 =	vmul.f32 v54, v59  }
0x119: {  	v6 =	vmul.f32 v56, v63;
	v46 =	vld [tilespmem:s16+$0xFFFFFEA0];
	v10 =	vmul.f32 v10, v53  }
0x11a: {  	v0 =	vld [tilespmem:$0x1FF70];
	v19 =	vmul.f32 v62, v63;
	v62 =	vmul.f32 v21, v63  }
0x11b: {  	v63 =	vmul.f32 v45, v63;
	v21 =	vld [tilespmem:s16+$0xFFFFFEB0];
	v38 =	vmul.f32 v12, v55  }
0x11c: {  	v45 =	vld [tilespmem:s16+$0xFFFFFF10];
	v8 =	vmul.f32 v8, v55;
	v9 =	vmul.f32 v9, v55  }
0x11d: {  	v12 =	vld [tilespmem:s16+$0xFFFFFF30];
	v39 =	vmul.f32 v52, v55;
	v7 =	vmul.f32 v7, v51  }
0x11e: {  	v52 =	vld [tilespmem:s16+$0xFFFFFF20];
	v35 =	vadd.f32 v38, v35;
	v14 =	vmul.f32 v40, v51;
	v46 =	vmul.f32 v46, v51  }
0x11f: {  	v38 =	vld [tilespmem:s16+$0xFFFFFF80];
	v40 =	vperm.xlane v44, v15;
	v8 =	vadd.f32 v8, v2;
	v9 =	vadd.f32 v9, v36  }
0x120: {  	v1 =	vld [tilespmem:s16+$0xD0];
	v54 =	vadd.f32 v46, v35;
	v46 =	vperm.xlane v44, v13;
	v35 =	vmul.f32 v0, v27  }
0x121: {  	v56 =	vld [tilespmem:s16+$0xFFFFFFA0];
	v39 =	vadd.f32 v39, v57;
	v36 =	vmul.f32 v25, v27;
	v21 =	vmul.f32 v21, v51  }
0x122: {  	v55 =	vld [tilespmem:s16+$0xFFFFFFB0];
	v45 =	vmul.f32 v45, v53;
	v12 =	vmul.f32 v12, v53;
	v7 =	vadd.f32 v7, v8  }
0x123: {  	v0 =	vld [tilespmem:s16+$0xFFFFFFC0];
	v21 =	vadd.f32 v21, v39;
	v39 =	vmul.f32 v52, v53;
	v53 =	vperm.xlane v44, v11  }
0x124: {  	v51 =	vld [tilespmem:s16+$0xFFFFFF90];
	v8 =	vadd.f32 v14, v9;
	v15 =	vmul.f32 v38, v23;
	v38 =	vmul.f32 v3, v29  }
0x125: {  	v14 =	vld [tilespmem:s16+$0x50];
	v44 =	vmul.f32 v5, v30;
	v3 =	vimm.s32 $0x9;
	v5 =	vimm.s32 $0xD  }
0x126: {  	v2 =	vld [tilespmem:s16+$0x40];
	v7 =	vadd.f32 v10, v7;
	v8 =	vadd.f32 v45, v8;
	v45 =	vmul.f32 v1, v30  }
0x127: {  	v11 =	vld [tilespmem:s16+$0xFFFFFFD0];
	v1 =	vimm.s32 $0xF;
	v9 =	vadd.f32 v39, v54;
	v10 =	vadd.f32 v12, v21  }
0x128: {  	v25 =	vld [tilespmem:s16+$0xFFFFFF40];
	v21 =	vmul.f32 v56, v23;
	v39 =	vmul.f32 v4, v29;
	v4 =	vimm.s32 $0xA  }
0x129: {  	v56 =	vld [tilespmem:s16+$0xFFFFFF50];
	v51 =	vmul.f32 v51, v23;
	v23 =	vmul.f32 v55, v23;
	v7 =	vadd.f32 v15, v7  }
0x12a: {  	v54 =	vld [tilespmem:s16+$0xFFFFFEC0];
	v52 =	vmul.f32 v14, v33;
	v9 =	vadd.f32 v21, v9;
	v21 =	vmul.f32 v0, v34  }
0x12b: {  	v57 =	vld [tilespmem:s16+$0xFFFFFED0];
	v0 =	vimm.s32 $0x7;
	v8 =	vadd.f32 v51, v8;
	v51 =	vmul.f32 v2, v33  }
0x12c: {  	s17 =	simm.s32 $0x40;
	v55 =	vld [tilespmem:s16+$0xFFFFFE40];
	v10 =	vadd.f32 v23, v10;
	v23 =	vmul.f32 v11, v34;
	v2 =	vimm.s32 $0x8  }
.LBB2_9:
0x12d: {  	p0 =	sne.s32 s17, $0x180;
	v11 =	vld [tilespmem:s16+$0xFFFFFE50];
	v25 =	vmul.f32 v25, v40;
	v6 =	vadd.f32 v6, v7;
	v7 =	vadd.f32 v19, v8  }
0x12e: {  	v8 =	vld [tilespmem:s16+$0xFFFFFE60];
	v19 =	vmul.f32 v56, v40;
	v9 =	vadd.f32 v62, v9;
	v10 =	vadd.f32 v63, v10  }
0x12f: {  	v56 =	vld [tilespmem:s16+$0xFFFFFE70];
	v62 =	vmul.f32 v54, v46;
	v6 =	vadd.f32 v60, v6;
	v7 =	vadd.f32 v61, v7  }
0x130: {  	v60 =	vmul.f32 v57, v46;
	v61 =	vld [tilespmem:s16+$0xFFFFFEE0];
	v9 =	vadd.f32 v58, v9;
	v10 =	vadd.f32 v59, v10  }
0x131: {  	v58 =	vmul.f32 v55, v53;
	v59 =	vld [tilespmem:s16+$0xFFFFFEF0];
	v6 =	vadd.f32 v49, v6;
	v7 =	vadd.f32 v50, v7  }
0x132: {  	v11 =	vmul.f32 v11, v53;
	v49 =	vld [tilespmem:s16+$0xFFFFFF60];
	v9 =	vadd.f32 v47, v9;
	v10 =	vadd.f32 v48, v10  }
0x133: {  	v8 =	vmul.f32 v8, v53;
	v47 =	vld [tilespmem:s16+$0xFFFFFF70];
	v54 =	vadd.f32 v42, v6;
	v55 =	vadd.f32 v43, v7  }
0x134: {  	v6 =	vmul.f32 v56, v53;
	v7 =	vld [tilespmem:s16+$0xFFFFFFE0];
	v56 =	vadd.f32 v41, v9;
	v57 =	vadd.f32 v37, v10  }
0x135: {  	v9 =	vadd.f32 v58, v32;
	v10 =	vadd.f32 v11, v28;
	v11 =	vmul.f32 v61, v46;
	v28 =	vld [tilespmem:s16+$0xFFFFFFF0]  }
0x136: {  	v8 =	vadd.f32 v8, v31;
	v6 =	vadd.f32 v6, v26;
	v26 =	vmul.f32 v59, v46;
	v31 =	vld [tilespmem:s16+$0x60]  }
0x137: {  	v9 =	vadd.f32 v62, v9;
	v10 =	vadd.f32 v60, v10;
	v32 =	vmul.f32 v49, v40;
	v37 =	vld [tilespmem:s16+$0x70]  }
0x138: {  	v8 =	vadd.f32 v11, v8;
	v6 =	vadd.f32 v26, v6;
	v11 =	vmul.f32 v47, v40;
	v26 =	vld [tilespmem:s16+$0xE0]  }
0x139: {  	v9 =	vadd.f32 v25, v9;
	v10 =	vadd.f32 v19, v10;
	v7 =	vmul.f32 v7, v34;
	v19 =	vld [tilespmem:s16+$0xF0]  }
0x13a: {  	v8 =	vadd.f32 v32, v8;
	v6 =	vadd.f32 v11, v6;
	v11 =	vmul.f32 v28, v34;
	v25 =	vld [tilespmem:s16+$0x160]  }
0x13b: {  	v9 =	vadd.f32 v21, v9;
	v10 =	vadd.f32 v23, v10;
	v21 =	vmul.f32 v31, v33;
	v23 =	vld [tilespmem:s16+$0x170]  }
0x13c: {  	v7 =	vadd.f32 v7, v8;
	v6 =	vadd.f32 v11, v6;
	v8 =	vmul.f32 v37, v33;
	v11 =	vld [tilespmem:s16+$0x1E0]  }
0x13d: {  	v9 =	vadd.f32 v51, v9;
	v10 =	vadd.f32 v52, v10;
	v26 =	vmul.f32 v26, v30;
	v28 =	vld [tilespmem:s16+$0x1F0];
	s16 =	sadd.s32 $0x400, s16  }
0x13e: {  	v7 =	vadd.f32 v21, v7;
	v37 =	vld [tilespmem:s16+$0x180];
	v6 =	vadd.f32 v8, v6;
	v8 =	vmul.f32 v19, v30  }
0x13f: {  	v9 =	vadd.f32 v44, v9;
	v10 =	vadd.f32 v45, v10;
	v19 =	vld [tilespmem:s16+$0x190];
	v21 =	vmul.f32 v25, v29  }
0x140: {  	v7 =	vadd.f32 v26, v7;
	v25 =	vld [tilespmem:s16+$0x1A0];
	v6 =	vadd.f32 v8, v6;
	v8 =	vmul.f32 v23, v29  }
0x141: {  	v9 =	vadd.f32 v38, v9;
	v10 =	vadd.f32 v39, v10;
	v23 =	vld [tilespmem:s16+$0x1B0];
	v11 =	vmul.f32 v11, v27  }
0x142: {  	v7 =	vadd.f32 v21, v7;
	v38 =	vld [tilespmem:s16+$0x1C0];
	v6 =	vadd.f32 v8, v6;
	v8 =	vmul.f32 v28, v27  }
0x143: {  	v32 =	vadd.f32 v35, v9;
	v28 =	vadd.f32 v36, v10;
	v21 =	vld [tilespmem:s16+$0x1D0]  }
0x144: {  	v31 =	vadd.f32 v11, v7;
	v9 =	vld [tilespmem:s16+$0x100];
	v26 =	vadd.f32 v8, v6  }
0x145: {  	v6 =	vld [tilespmem:s16+$0x110]  }
0x146: {  	v7 =	vld [tilespmem:s16+$0x120]  }
0x147: {  	s1 =	sshra.s32 s17, $0x2;
	v8 =	vld [tilespmem:s16+$0x130]  }
0x148: {  	v10 =	vld [tilespmem:s1+$0x3F0]  }
0x149: {  	v11 =	vld [tilespmem:s16+$0x140]  }
0x14a: {  	v39 =	vld [tilespmem:s16+$0x150]  }
0x14b: {  	v44 =	vld [tilespmem:s16+$0x80]  }
0x14c: {  	v12 =	vimm.s32 $0xE;
	v13 =	vimm.s32 $0x6;
	v15 =	vimm.s32 $0x4;
	v45 =	vld [tilespmem:s16+$0x90]  }
0x14d: {  	v51 =	vld [tilespmem:s16+$0xA0];
	v35 =	vperm.xlane v10, v12;
	v27 =	vperm.xlane v10, v1;
	v12 =	vimm.s32 $0xC  }
0x14e: {  	v29 =	vperm.xlane v10, v5;
	v52 =	vld [tilespmem:s16+$0xB0];
	v48 =	vperm.xlane v10, v12;
	v12 =	vimm.s32 $0xB  }
0x14f: {  	v16 =	vimm.s32 $0x5;
	v59 =	vperm.xlane v10, v4;
	v30 =	vperm.xlane v10, v12;
	v62 =	vld [tilespmem:s16+$0xC0]  }
0x150: {  	v17 =	vimm.s32 $0x2;
	v63 =	vperm.xlane v10, v2;
	v33 =	vperm.xlane v10, v3;
	v12 =	vld [tilespmem:s16+$0xD0]  }
0x151: {  	v18 =	vimm.s32 $0x3;
	v13 =	vperm.xlane v10, v13;
	v34 =	vperm.xlane v10, v0;
	v14 =	vld [tilespmem:s16+$0x0]  }
0x152: {  	v20 =	vimm.s32 $0x0;
	v15 =	vperm.xlane v10, v15;
	v40 =	vperm.xlane v10, v16;
	v16 =	vld [tilespmem:s16+$0x10]  }
0x153: {  	v22 =	vimm.s32 $0x1;
	v17 =	vperm.xlane v10, v17;
	v46 =	vperm.xlane v10, v18;
	v18 =	vld [tilespmem:s16+$0x20]  }
0x154: {  	v20 =	vperm.xlane v10, v20;
	v53 =	vperm.xlane v10, v22;
	v10 =	vld [tilespmem:s16+$0x30]  }
0x155: {  	v42 =	vmul.f32 v37, v35;
	v43 =	vmul.f32 v19, v35;
	v22 =	vld [tilespmem:s16+$0x40]  }
0x156: {  	v41 =	vmul.f32 v25, v35;
	v37 =	vmul.f32 v23, v35;
	v24 =	vld [tilespmem:s16+$0x50]  }
0x157: {  	v35 =	vmul.f32 v38, v27;
	v36 =	vmul.f32 v21, v27;
	v23 =	vld [tilespmem:s16+$0xFFFFFF80]  }
0x158: {  	v49 =	vmul.f32 v9, v48;
	v50 =	vmul.f32 v6, v48;
	v21 =	vld [tilespmem:s16+$0xFFFFFF90]  }
0x159: {  	v47 =	vmul.f32 v7, v48;
	v48 =	vmul.f32 v8, v48;
	v9 =	vld [tilespmem:s16+$0xFFFFFF00]  }
0x15a: {  	v38 =	vmul.f32 v11, v29;
	v39 =	vmul.f32 v39, v29;
	v7 =	vld [tilespmem:s16+$0xFFFFFF10]  }
0x15b: {  	v60 =	vmul.f32 v44, v59;
	v61 =	vmul.f32 v45, v59;
	v8 =	vld [tilespmem:s16+$0xFFFFFE80]  }
0x15c: {  	v58 =	vmul.f32 v51, v59;
	v59 =	vmul.f32 v52, v59;
	v11 =	vld [tilespmem:s16+$0xFFFFFE90]  }
0x15d: {  	v44 =	vmul.f32 v62, v30;
	v45 =	vmul.f32 v12, v30;
	v25 =	vld [tilespmem:s16+$0xFFFFFE00]  }
0x15e: {  	v6 =	vmul.f32 v14, v63;
	v19 =	vmul.f32 v16, v63;
	v12 =	vld [tilespmem:s16+$0xFFFFFE10]  }
0x15f: {  	v62 =	vmul.f32 v18, v63;
	v63 =	vmul.f32 v10, v63;
	v14 =	vld [tilespmem:s16+$0xFFFFFE20]  }
0x160: {  	v51 =	vmul.f32 v22, v33;
	v52 =	vmul.f32 v24, v33;
	v10 =	vld [tilespmem:s16+$0xFFFFFE30]  }
0x161: {  	v18 =	vmul.f32 v23, v13;
	v21 =	vmul.f32 v21, v13;
	v16 =	vld [tilespmem:s16+$0xFFFFFEA0]  }
0x162: {  	v9 =	vmul.f32 v9, v15;
	v7 =	vmul.f32 v7, v15;
	v22 =	vld [tilespmem:s16+$0xFFFFFEB0]  }
0x163: {  	v8 =	vmul.f32 v8, v17;
	v11 =	vmul.f32 v11, v17;
	v23 =	vld [tilespmem:s16+$0xFFFFFF20]  }
0x164: {  	v24 =	vmul.f32 v25, v20;
	v12 =	vmul.f32 v12, v20;
	v25 =	vld [tilespmem:s16+$0xFFFFFF30]  }
0x165: {  	v14 =	vmul.f32 v14, v20;
	v10 =	vmul.f32 v10, v20;
	v20 =	vld [tilespmem:s16+$0xFFFFFFA0]  }
0x166: {  	v24 =	vadd.f32 v24, v54;
	v12 =	vadd.f32 v12, v55;
	v16 =	vmul.f32 v16, v17;
	v55 =	vld [tilespmem:s16+$0xFFFFFFB0]  }
0x167: {  	v14 =	vadd.f32 v14, v56;
	v10 =	vadd.f32 v10, v57;
	v17 =	vmul.f32 v22, v17;
	v22 =	vld [tilespmem:s16+$0xFFFFFFC0]  }
0x168: {  	v8 =	vadd.f32 v8, v24;
	v11 =	vadd.f32 v11, v12;
	v12 =	vmul.f32 v23, v15;
	v23 =	vld [tilespmem:s16+$0xFFFFFFD0]  }
.Ltmp5:
0x169: {  	v14 =	vadd.f32 v16, v14;
	v10 =	vadd.f32 v17, v10;
	v15 =	vmul.f32 v25, v15;
	v25 =	vld [tilespmem:s16+$0xFFFFFF40];
	(pc) =	sbr.rel @p0 .LBB2_9-.Ltmp5, $4  }
0x16a: {  	v8 =	vadd.f32 v9, v8;
	v9 =	vadd.f32 v7, v11;
	v56 =	vld [tilespmem:s16+$0xFFFFFF50];
	v11 =	vmul.f32 v20, v13  }
0x16b: {  	v12 =	vadd.f32 v12, v14;
	v54 =	vld [tilespmem:s16+$0xFFFFFEC0];
	v10 =	vadd.f32 v15, v10;
	v13 =	vmul.f32 v55, v13  }
0x16c: {  	v7 =	vadd.f32 v18, v8;
	v8 =	vadd.f32 v21, v9;
	v57 =	vld [tilespmem:s16+$0xFFFFFED0];
	v21 =	vmul.f32 v22, v34  }
0x16d: {  	s17 =	sadd.s32 $0x40, s17;
	v9 =	vadd.f32 v11, v12;
	v55 =	vld [tilespmem:s16+$0xFFFFFE40];
	v10 =	vadd.f32 v13, v10;
	v23 =	vmul.f32 v23, v34  }
0x16e: {  	v11 =	vld [tilespmem:s16+$0xFFFFFE50];
	v12 =	vmul.f32 v25, v40;
	v6 =	vadd.f32 v6, v7  }
0x16f: {  	v7 =	vadd.f32 v19, v8;
	v8 =	vld [tilespmem:s16+$0xFFFFFE60];
	v13 =	vmul.f32 v56, v40;
	v9 =	vadd.f32 v62, v9  }
0x170: {  	v14 =	vld [tilespmem:s16+$0xFFFFFE70];
	v10 =	vadd.f32 v63, v10;
	v15 =	vmul.f32 v54, v46;
	v6 =	vadd.f32 v60, v6  }
0x171: {  	v17 =	vld [tilespmem:s16+$0xFFFFFEE0];
	v7 =	vadd.f32 v61, v7;
	v16 =	vmul.f32 v57, v46;
	v9 =	vadd.f32 v58, v9  }
0x172: {  	v19 =	vld [tilespmem:s16+$0xFFFFFEF0];
	v10 =	vadd.f32 v59, v10;
	v18 =	vmul.f32 v55, v53;
	v6 =	vadd.f32 v49, v6  }
0x173: {  	v20 =	vld [tilespmem:s16+$0xFFFFFF60];
	v7 =	vadd.f32 v50, v7;
	v11 =	vmul.f32 v11, v53;
	v9 =	vadd.f32 v47, v9  }
0x174: {  	v22 =	vld [tilespmem:s16+$0xFFFFFF70];
	v10 =	vadd.f32 v48, v10;
	v8 =	vmul.f32 v8, v53;
	v6 =	vadd.f32 v42, v6  }
0x175: {  	v24 =	vld [tilespmem:s16+$0xFFFFFFE0];
	v14 =	vmul.f32 v14, v53;
	v7 =	vadd.f32 v43, v7;
	v18 =	vadd.f32 v18, v32  }
0x176: {  	v25 =	vld [tilespmem:s16+$0xFFFFFFF0];
	v17 =	vmul.f32 v17, v46;
	v9 =	vadd.f32 v41, v9;
	v11 =	vadd.f32 v11, v28  }
0x177: {  	v19 =	vmul.f32 v19, v46;
	v8 =	vadd.f32 v8, v31;
	v14 =	vadd.f32 v14, v26;
	v26 =	vld [tilespmem:s16+$0x60]  }
0x178: {  	v15 =	vadd.f32 v15, v18;
	v18 =	vld [tilespmem:s16+$0x70];
	v11 =	vadd.f32 v16, v11;
	v16 =	vmul.f32 v20, v40  }
0x179: {  	v8 =	vadd.f32 v17, v8;
	v14 =	vadd.f32 v19, v14;
	v17 =	vmul.f32 v22, v40;
	v19 =	vld [tilespmem:s16+$0xE0]  }
0x17a: {  	v12 =	vadd.f32 v12, v15;
	v15 =	vld [tilespmem:s16+$0xF0];
	v11 =	vadd.f32 v13, v11;
	v13 =	vmul.f32 v24, v34  }
0x17b: {  	v8 =	vadd.f32 v16, v8;
	v14 =	vadd.f32 v17, v14;
	v16 =	vmul.f32 v25, v34  }
0x17c: {  	v17 =	vld [tilespmem:s16+$0x160];
	v12 =	vadd.f32 v21, v12;
	v20 =	vmul.f32 v26, v33;
	v11 =	vadd.f32 v23, v11  }
0x17d: {  	v21 =	vld [tilespmem:s16+$0x170];
	v8 =	vadd.f32 v13, v8;
	v13 =	vadd.f32 v16, v14;
	v14 =	vmul.f32 v18, v33  }
0x17e: {  	v16 =	vld [tilespmem:s16+$0x1E0];
	v12 =	vadd.f32 v51, v12;
	v18 =	vmul.f32 v19, v30;
	v11 =	vadd.f32 v52, v11  }
0x17f: {  	v8 =	vadd.f32 v20, v8;
	v13 =	vadd.f32 v14, v13;
	v14 =	vmul.f32 v15, v30  }
0x180: {  	v15 =	vld [tilespmem:s16+$0x1F0];
	v12 =	vadd.f32 v44, v12;
	v11 =	vadd.f32 v45, v11  }
0x181: {  	v17 =	vmul.f32 v17, v29;
	v8 =	vadd.f32 v18, v8;
	v13 =	vadd.f32 v14, v13  }
0x182: {  	v12 =	vadd.f32 v38, v12;
	v11 =	vadd.f32 v39, v11  }
0x183: {  	v14 =	vmul.f32 v21, v29;
	v16 =	vmul.f32 v16, v27;
	v8 =	vadd.f32 v17, v8  }
0x184: {  	v12 =	vadd.f32 v35, v12;
	v11 =	vadd.f32 v36, v11  }
0x185: {  	v13 =	vadd.f32 v14, v13;
	v14 =	vmul.f32 v15, v27;
	v8 =	vadd.f32 v16, v8  }
0x186: {  	v6 =	vadd.f32 v12, v6;
	v7 =	vadd.f32 v11, v7  }
0x187: {  	v10 =	vadd.f32 v37, v10;
	v11 =	vadd.f32 v14, v13  }
0x188: {  	v8 =	vadd.f32 v8, v9;
	v6 =	vmul.f32 v6, v6;
	v7 =	vmul.f32 v7, v7;
	_ =	sdelay $0x1  }
0x189: {  	v9 =	vadd.f32 v11, v10;
	v6 =	vadd.f32 v7, v6;
	v7 =	vmul.f32 v8, v8  }
0x18a: {  	v0 =	vld [tilespmem:$0x1FF80]  }
0x18b: {  	v6 =	vadd.f32 v7, v6;
	v7 =	vmul.f32 v9, v9;
	_ =	sdelay $0x1  }
0x18c: {  	v6 =	vadd.f32 v7, v6;
	_ =	sdelay $0x1  }
0x18d: {  	v7 =	vperm.xlane v6, v0;
	v0 =	vld [tilespmem:$0x1FF90];
	_ =	sdelay $0x2  }
0x18e: {  	v6 =	vadd.f32 v7, v6;
	_ =	sdelay $0x1  }
0x18f: {  	v7 =	vperm.xlane v6, v0;
	v0 =	vld [tilespmem:$0x1FFA0];
	_ =	sdelay $0x2  }
0x190: {  	v6 =	vadd.f32 v7, v6;
	_ =	sdelay $0x1  }
0x191: {  	v7 =	vperm.xlane v6, v0;
	v0 =	vld [tilespmem:$0x1FFB0];
	_ =	sdelay $0x2  }
0x192: {  	v6 =	vadd.f32 v7, v6;
	_ =	sdelay $0x1  }
0x193: {  	v7 =	vperm.xlane v6, v0;
	_ =	sdelay $0x1  }
0x194: {  	v6 =	vadd.f32 v7, v6;
	_ =	sdelay $0x1  }
0x195: {  	v6 =	vmul.f32 $5.000000000e-01, v6;
	_ =	sdelay $0x1  }
0x196: {  	s15 =	sadd.s32 $0x1, s15;
	v6 =	vnsel vm3, $0x0, v6  }
0x197: {  	p0 =	sne.s32 s15, s8;
	[tilespmem:$0x120A0] =	vst v6  }
0x198: {  	v2 =	vlaneseq.u32;
	[hbm4b:s7+s2] =	stream.linear.scatter [tilespmem:s14], [sflag:$0x1], $0x8, $0x38;
	[tilespmem:$0x120B0] =	vst v63  }
.Ltmp6:
0x199: {  	v62 =	vimm.s32 $0xC;
	v63 =	vimm.s32 $0xE;
	v61 =	vimm.s32 $0xB;
	_ =	swait.ge [sflag:s9], $0x8;
	(pc) =	sbr.rel @p0 .LBB2_1-.Ltmp6, $4  }
0x19a: {  	v22 =	vimm.s32 $0x9;
	v24 =	vimm.s32 $0xA;
	v20 =	vimm.s32 $0xD;
	v1 =	vld [tilespmem:$0x1FFC0]  }
0x19b: {  	v18 =	vimm.s32 $0x8;
	v17 =	vimm.s32 $0x7;
	v15 =	vimm.s32 $0x5;
	v3 =	vld [tilespmem:$0x1FFD0]  }
0x19c: {  	v16 =	vimm.s32 $0x6;
	v12 =	vimm.s32 $0x2;
	v13 =	vimm.s32 $0x3;
	[sflag:s9] =	ssyncset.done $0x0;
	v4 =	vld [tilespmem:$0x1FFE0]  }
0x19d: {  	v14 =	vimm.s32 $0x4;
	v11 =	vimm.s32 $0x1;
	v0 =	vimm.s32 $0x0;
	v5 =	vld [tilespmem:$0x1FFF0];
	[sflag:s9] =	ssyncadd.s32 $0xFFFFFFF8  }
0x19e: {  	_ =	sfence.sel $0x180000  }
0x19f: {  	[bflag:$0x0] =	sbarrier.arrive $0xFFFF  }
0x1a0: {  	_ =	strace $0x90000047  }
0x1a1: {  	[bflag:$0x2] =	sbarrier.arrive $0xFFFF  }
0x1a2: {  	p0 =	sne.s32 s0, $0x0;
	s0 =	rddreg [dreg:$0x2]  }
0x1a3: {  	s0 =	sadd.s32 @!p0 $0x100000, s0  }
0x1a4: {  	[sflag:s0] =	ssyncadd.tile.s32 @!p0 $0x1;
	_ =	shalt  }
.Lfunc_end2:
_tile_overlayer_lowered:
.L_overlay_start_2:
0x1a5: {  	(tag) =	ssettag $0x2  }
0x1a6: {  	s0 =	rddreg [dreg:$0x0];
	s2 =	stileid.u32  }
0x1a7: {  	s1 =	rddreg [dreg:$0x1];
	p0 =	sne.s32 s2, $0x0  }
0x1a8: {  	s3 =	rddreg [dreg:$0x2];
	[bflag:$0x3] =	sbarrier.arrive $0xFFFF;
	s2 =	simm.s32 @!p0 $0x1C01  }
0x1a9: {  	[timem:s3], [sflag:s2] =	dma.local @!p0 [hbm:s0], s1  }
0x1aa: {  	s0 =	simm.s32 @!p0 $0x1  }
0x1ab: {  	_ =	swait.ge @!p0 [sflag:s0], s1  }
0x1ac: {  	s1 =	ssub.s32 @!p0 $0x0, s1;
	[sflag:s0] =	ssyncset.done @!p0 $0x0  }
0x1ad: {  	[sflag:s0] =	ssyncadd.s32 @!p0 s1  }
0x1ae: {  	[bflag:$0x3] =	sbarrier.arrive $0xFFFF  }
0x1af: {  	_ =	shalt  }

</sc_bundles>
